<compile_context>
chip_gen: v7x
topology: tpu7x:2x2x1
jax: 0.10.2.dev20260603
libtpu: 0.0.44.dev20260713+nightly
codegen_flags: <defaults>
</compile_context>

<pallas_src>
import dataclasses
import functools

import jax
import jax.numpy as jnp
from jax import lax
from jax.experimental import pallas as pl
from jax.experimental.pallas import tpu as pltpu
from jax.experimental.pallas import tpu_sc as plsc

F = 26
V = 100000
E = 16
T = 16
B = 4096
P = F * (F - 1) // 2
G = 16
NCHUNK = (P + G - 1) // G
PPAD = NCHUNK * G
LPAD = (PPAD - P) * E

BT = 256

BF = B * F
NC, NS, L = 2, 16, 16
NW = NC * NS
BPW = BF // NW
NLIN = F * (V + 1)
LV_ROWS = NLIN // L
TAIL0 = NLIN - L


def _sc_gather(fm_table, idx_flat):
    mesh = plsc.VectorSubcoreMesh(core_axis_name="c", subcore_axis_name="s")
    cp = pltpu.CompilerParams(
        needs_layout_passes=False, use_tc_tiling_on_sc=False)

    @functools.partial(
        pl.kernel,
        mesh=mesh,
        compiler_params=cp,
        out_type=jax.ShapeDtypeStruct((BF, E), jnp.float32),
        scratch_types=[
            pltpu.VMEM((BPW,), jnp.int32),
            pltpu.VMEM((BPW, E), jnp.float32),
            pltpu.SemaphoreType.DMA,
        ],
    )
    def k(fm_hbm, idx_hbm, fm_out, idx_v, buf_v, sem):
        wid = lax.axis_index("s") * NC + lax.axis_index("c")
        base = wid * BPW
        pltpu.sync_copy(idx_hbm.at[pl.ds(base, BPW)], idx_v)
        pltpu.async_copy(fm_hbm.at[idx_v], buf_v, sem).wait()
        pltpu.sync_copy(buf_v, fm_out.at[pl.ds(base, BPW)])

    return k(fm_table, idx_flat)


def _afm_body(fm_ref, lin_ref, wbig_ref, hbig_ref, qbig_ref, bias_ref,
              out_ref):
    bt = fm_ref.shape[0]
    fm = fm_ref[...]
    wbig = wbig_ref[...]
    hbig = hbig_ref[...]
    qbig = qbig_ref[...]
    bias = bias_ref[...]

    reps = [jnp.tile(fm[:, i * E:(i + 1) * E], (1, F - 1 - i))
            for i in range(F - 1)]
    rest = [fm[:, (i + 1) * E:] for i in range(F - 1)]
    prod = jnp.concatenate(reps, axis=1) * jnp.concatenate(rest, axis=1)
    prod = jnp.concatenate(
        [prod, jnp.zeros((bt, LPAD), jnp.float32)], axis=1)

    s_parts, q_parts = [], []
    for c in range(NCHUNK):
        pc = prod[:, c * G * E:(c + 1) * G * E]
        zc = jnp.dot(pc, wbig, preferred_element_type=jnp.float32)
        ac = jax.nn.relu(zc + bias)
        s_parts.append(jnp.dot(ac, hbig, preferred_element_type=jnp.float32))
        q_parts.append(jnp.dot(pc, qbig, preferred_element_type=jnp.float32))
    s = jnp.concatenate(s_parts, axis=1)
    q = jnp.concatenate(q_parts, axis=1)

    p_id = jax.lax.broadcasted_iota(jnp.int32, (bt, PPAD), 1)
    mask = p_id < P
    s = jnp.where(mask, s, -1e30)
    m = jnp.max(s, axis=1, keepdims=True)
    e = jnp.where(mask, jnp.exp(s - m), 0.0)
    denom = jnp.sum(e, axis=1, keepdims=True)
    num = jnp.sum(e * q, axis=1, keepdims=True)
    afm = num / denom
    lin_sum = jnp.sum(lin_ref[...], axis=1, keepdims=True)
    out_ref[...] = jax.nn.sigmoid(afm + lin_sum)


def _afm_stage(fm_flat, lin, wbig, hbig, qbig, bias):
    return pl.pallas_call(
        _afm_body,
        grid=(B // BT,),
        in_specs=[
            pl.BlockSpec((BT, F * E), lambda i: (i, 0)),
            pl.BlockSpec((BT, F), lambda i: (i, 0)),
            pl.BlockSpec((G * E, G * 32), lambda i: (0, 0)),
            pl.BlockSpec((G * 32, G), lambda i: (0, 0)),
            pl.BlockSpec((G * E, G), lambda i: (0, 0)),
            pl.BlockSpec((1, G * 32), lambda i: (0, 0)),
        ],
        out_specs=pl.BlockSpec((BT, 1), lambda i: (i, 0)),
        out_shape=jax.ShapeDtypeStruct((B, 1), jnp.float32),
    )(fm_flat, lin, wbig, hbig, qbig, bias)


def kernel(indices, fm_table, linear_table, att_W, att_b, att_h, proj_p,
           training):
    del training
    offsets = (jnp.arange(F, dtype=indices.dtype) * (V + 1))[None, :]
    idx = (indices + offsets).astype(jnp.int32)

    fm_rows = _sc_gather(fm_table, idx.reshape(-1))
    lin_vals = jnp.take(linear_table, idx.reshape(-1), axis=0)

    wc = jnp.zeros((E, 32), jnp.float32).at[:, :T].set(att_W)
    eye = jnp.eye(G, dtype=jnp.float32)
    wbig = jnp.kron(eye, wc)
    hpad = jnp.zeros((32, 1), jnp.float32).at[:T, 0].set(att_h[:, 0])
    hbig = jnp.kron(eye, hpad)
    qbig = jnp.kron(eye, proj_p)
    bias = jnp.tile(
        jnp.concatenate([att_b, jnp.zeros((T,), jnp.float32)])[None, :],
        (1, G))

    fm_flat = fm_rows.reshape(B, F * E)
    lin = lin_vals.reshape(B, F)
    return _afm_stage(fm_flat, lin, wbig, hbig, qbig, bias)

# --- scband reference (transcript-rebuilt; emitter-appended) ---
"""Pipeline reference for scband-afm-68659347194499 (READ-ONLY COPY).

The authoritative reference and input builder live on the scoring server;
editing this copy changes nothing except your own understanding.
"""

import jax, jax.numpy as jnp
import numpy as np

F = 26          # n_sparse_fields
V = 100000      # vocab per field (table rows = V + 1)
E = 16          # embedding_size
T = 16          # attention_factor
B = 4096        # batch


def setup_inputs(seed: int = 0) -> dict:
    key = jax.random.key(seed)
    ks = jax.random.split(key, 8)
    indices = jax.random.randint(ks[0], (B, F), 0, V, dtype=jnp.int64) if jax.config.jax_enable_x64 else jax.random.randint(ks[0], (B, F), 0, V, dtype=jnp.int32)
    # Per-field embedding tables flattened into one big table with per-field offsets.
    fm_table = jax.random.normal(ks[1], (F * (V + 1), E), dtype=jnp.float32) * 0.05
    linear_table = jax.random.normal(ks[2], (F * (V + 1), 1), dtype=jnp.float32) * 0.05
    att_W = jax.random.normal(ks[3], (E, T), dtype=jnp.float32) * (1.0 / np.sqrt(E))
    att_b = jnp.zeros((T,), dtype=jnp.float32)
    att_h = jax.random.normal(ks[4], (T, 1), dtype=jnp.float32) * (1.0 / np.sqrt(T))
    proj_p = jax.random.normal(ks[5], (E, 1), dtype=jnp.float32) * (1.0 / np.sqrt(E))
    return {
        "indices": indices,
        "fm_table": fm_table,
        "linear_table": linear_table,
        "att_W": att_W,
        "att_b": att_b,
        "att_h": att_h,
        "proj_p\u200b".replace("\u200b", ""): proj_p,
        "training": 0,
    }


def reference(indices, fm_table, linear_table, att_W, att_b, att_h, proj_p, training):
    # Embedding lookups (gather) -- one logical table per field via offsets.
    offsets = (jnp.arange(F, dtype=indices.dtype) * (V + 1))[None, :]
    idx = indices + offsets                      # [B, F]
    fm_inputs = jnp.take(fm_table, idx, axis=0)       # [B, F, E]
    linear_inputs = jnp.take(linear_table, idx, axis=0)  # [B, F, 1]

    # AFM layer: pairwise element-wise products of field embeddings.
    ii, jj = np.triu_indices(F, k=1)             # P = F*(F-1)/2 pairs
    prod = fm_inputs[:, ii, :] * fm_inputs[:, jj, :]   # [B, P, E]

    # Attention network: a_ij = softmax(h^T relu(W p_ij + b))
    att = jax.nn.relu(jnp.einsum('bpe,et->bpt', prod, att_W) + att_b)  # [B, P, T]
    scores = jnp.einsum('bpt,to->bpo', att, att_h)                     # [B, P, 1]
    a = jax.nn.softmax(scores, axis=1)                                  # [B, P, 1]

    # Attention-weighted sum of pairwise interactions (dropout inactive: training=False).
    weighted = jnp.sum(a * prod, axis=1)          # [B, E]
    afm_prediction = weighted @ proj_p            # [B, 1]

    # Linear (first-order) term.
    linear_prediction = jnp.sum(linear_inputs, axis=-2)  # [B, 1]

    return jax.nn.sigmoid(afm_prediction + linear_prediction)

if __name__ == "__main__":
    import jax
    _d = setup_inputs()
    print(jax.jit(kernel)(*tuple(_d.values())))

</pallas_src>

<mosaic_0001>
#map = affine_map<(d0, d1) -> (0, 0)>
#map1 = affine_map<(d0, d1) -> (0)>
module attributes {stable_mosaic.version = 14 : i64} {
  func.func @k(%arg0: i32, %arg1: i32, %arg2: memref<2600026x16xf32, #tpu.memory_space<hbm>>, %arg3: memref<106496xi32, #tpu.memory_space<hbm>>, %arg4: memref<106496x16xf32, #tpu.memory_space<hbm>>, %arg5: memref<3328xi32, #tpu.memory_space<vmem>>, %arg6: memref<3328x16xf32, #tpu.memory_space<vmem>>, %arg7: memref<!tpu.dma_semaphore, #tpu.memory_space<semaphore_mem>>) attributes {dimension_semantics = [#tpu.dimension_semantics<core_parallel>, #tpu.dimension_semantics<subcore_parallel>], iteration_bounds = array<i64: 2, 16>, scalar_prefetch = 0 : i64, scratch_operands = 3 : i64, tpu.core_type = #tpu.core_type<sc_vector_subcore>, window_params = [{transform_indices = #map}, {transform_indices = #map1}, {transform_indices = #map}]} {
    %mul3A = arith.constant 2 : i32
    %mul3A_0 = arith.muli %arg1, %mul3A : i32
    %add3A = arith.addi %mul3A_0, %arg0 : i32
    %mul3A_1 = arith.constant 3328 : i32
    %mul3A_2 = arith.muli %add3A, %mul3A_1 : i32
    "tpu.region"() ({
      %run_scoped3A = tpu.sem_alloc : memref<!tpu.dma_semaphore, #tpu.memory_space<semaphore_mem>>
      %dma_start3A_7 = tpu.memref_slice %arg3[%mul3A_2] : memref<106496xi32, #tpu.memory_space<hbm>> -> memref<3328xi32, #tpu.memory_space<hbm>>
      %dma_start3A_8 = tpu.memref_slice %arg3[%mul3A_2] : memref<106496xi32, #tpu.memory_space<hbm>> -> memref<3328xi32, #tpu.memory_space<hbm>>
      tpu.enqueue_dma source(%dma_start3A_8 : memref<3328xi32, #tpu.memory_space<hbm>>) target(%arg5 : memref<3328xi32, #tpu.memory_space<vmem>>) target_semaphore(%run_scoped3A : memref<!tpu.dma_semaphore, #tpu.memory_space<semaphore_mem>>)
      %dma_wait3A_9 = tpu.memref_slice %arg3[%mul3A_2] : memref<106496xi32, #tpu.memory_space<hbm>> -> memref<3328xi32, #tpu.memory_space<hbm>>
      %dma_wait3A_10 = tpu.memref_slice %arg3[%mul3A_2] : memref<106496xi32, #tpu.memory_space<hbm>> -> memref<3328xi32, #tpu.memory_space<hbm>>
      tpu.wait_dma2 semaphore(%run_scoped3A : memref<!tpu.dma_semaphore, #tpu.memory_space<semaphore_mem>>) src(%dma_wait3A_10 : memref<3328xi32, #tpu.memory_space<hbm>>) dst(%arg5 : memref<3328xi32, #tpu.memory_space<vmem>>)
      tpu.yield
    }) : () -> ()
    %dma_start3A = arith.constant 0 : i32
    %dma_start3A_3 = arith.constant 0 : i32
    %dma_start3A_4 = tpu.memref_slice %arg2[%dma_start3A, %dma_start3A_3] : memref<2600026x16xf32, #tpu.memory_space<hbm>> -> memref<2600026x16xf32, #tpu.memory_space<hbm>>
    tpu.enqueue_indirect_dma source(%dma_start3A_4 : memref<2600026x16xf32, #tpu.memory_space<hbm>>) target(%arg6 : memref<3328x16xf32, #tpu.memory_space<vmem>>) offsets(%arg5 : memref<3328xi32, #tpu.memory_space<vmem>>) semaphore(%arg7 : memref<!tpu.dma_semaphore, #tpu.memory_space<semaphore_mem>>)
    %dma_wait3A = arith.constant 0 : i32
    %dma_wait3A_5 = arith.constant 0 : i32
    %dma_wait3A_6 = tpu.memref_slice %arg2[%dma_wait3A, %dma_wait3A_5] : memref<2600026x16xf32, #tpu.memory_space<hbm>> -> memref<2600026x16xf32, #tpu.memory_space<hbm>>
    tpu.wait_indirect_dma semaphore(%arg7 : memref<!tpu.dma_semaphore, #tpu.memory_space<semaphore_mem>>) src(%dma_wait3A_6 : memref<2600026x16xf32, #tpu.memory_space<hbm>>) dst(%arg6 : memref<3328x16xf32, #tpu.memory_space<vmem>>)
    "tpu.region"() ({
      %run_scoped3A = tpu.sem_alloc : memref<!tpu.dma_semaphore, #tpu.memory_space<semaphore_mem>>
      %dma_start3A_7 = arith.constant 0 : i32
      %dma_start3A_8 = tpu.memref_slice %arg4[%mul3A_2, %dma_start3A_7] : memref<106496x16xf32, #tpu.memory_space<hbm>> -> memref<3328x16xf32, #tpu.memory_space<hbm>>
      %dma_start3A_9 = arith.constant 0 : i32
      %dma_start3A_10 = tpu.memref_slice %arg4[%mul3A_2, %dma_start3A_9] : memref<106496x16xf32, #tpu.memory_space<hbm>> -> memref<3328x16xf32, #tpu.memory_space<hbm>>
      tpu.enqueue_dma source(%arg6 : memref<3328x16xf32, #tpu.memory_space<vmem>>) target(%dma_start3A_10 : memref<3328x16xf32, #tpu.memory_space<hbm>>) target_semaphore(%run_scoped3A : memref<!tpu.dma_semaphore, #tpu.memory_space<semaphore_mem>>)
      %dma_wait3A_11 = arith.constant 0 : i32
      %dma_wait3A_12 = tpu.memref_slice %arg4[%mul3A_2, %dma_wait3A_11] : memref<106496x16xf32, #tpu.memory_space<hbm>> -> memref<3328x16xf32, #tpu.memory_space<hbm>>
      %dma_wait3A_13 = arith.constant 0 : i32
      %dma_wait3A_14 = tpu.memref_slice %arg4[%mul3A_2, %dma_wait3A_13] : memref<106496x16xf32, #tpu.memory_space<hbm>> -> memref<3328x16xf32, #tpu.memory_space<hbm>>
      tpu.wait_dma2 semaphore(%run_scoped3A : memref<!tpu.dma_semaphore, #tpu.memory_space<semaphore_mem>>) src(%arg6 : memref<3328x16xf32, #tpu.memory_space<vmem>>) dst(%dma_wait3A_14 : memref<3328x16xf32, #tpu.memory_space<hbm>>)
      tpu.yield
    }) : () -> ()
    return
  }
}

module attributes {stable_mosaic.version = 14 : i64} {
  func.func @_afm_body(%arg0: i32, %arg1: memref<256x416xf32, #tpu.memory_space<vmem>>, %arg2: memref<256x26xf32, #tpu.memory_space<vmem>>, %arg3: memref<256x512xf32, #tpu.memory_space<vmem>>, %arg4: memref<512x16xf32, #tpu.memory_space<vmem>>, %arg5: memref<256x16xf32, #tpu.memory_space<vmem>>, %arg6: memref<1x512xf32, #tpu.memory_space<vmem>>, %arg7: memref<256x1xf32, #tpu.memory_space<vmem>>) attributes {dimension_semantics = [#tpu.dimension_semantics<arbitrary>], iteration_bounds = array<i64: 16>, scalar_prefetch = 0 : i64, scratch_operands = 0 : i64, tpu.core_type = #tpu.core_type<tc>, window_params = [{transform_indices = @transform_0, window_bounds = array<i64: 256, 416>}, {transform_indices = @transform_1, window_bounds = array<i64: 256, 26>}, {pipeline_mode = #tpu.pipeline_mode<synchronous>, transform_indices = @transform_2, window_bounds = array<i64: 256, 512>}, {pipeline_mode = #tpu.pipeline_mode<synchronous>, transform_indices = @transform_3, window_bounds = array<i64: 512, 16>}, {pipeline_mode = #tpu.pipeline_mode<synchronous>, transform_indices = @transform_4, window_bounds = array<i64: 256, 16>}, {pipeline_mode = #tpu.pipeline_mode<synchronous>, transform_indices = @transform_5, window_bounds = array<i64: 1, 512>}, {transform_indices = @transform_6, window_bounds = array<i64: 256, 1>}]} {
    %get3A = arith.constant 0 : index
    %get3A_0 = arith.constant 0 : index
    %get3A_1 = vector.load %arg1[%get3A, %get3A_0] : memref<256x416xf32, #tpu.memory_space<vmem>>, vector<256x416xf32>
    %get3A_2 = arith.constant 0 : index
    %get3A_3 = arith.constant 0 : index
    %get3A_4 = vector.load %arg3[%get3A_2, %get3A_3] : memref<256x512xf32, #tpu.memory_space<vmem>>, vector<256x512xf32>
    %get3A_5 = arith.constant 0 : index
    %get3A_6 = arith.constant 0 : index
    %get3A_7 = vector.load %arg4[%get3A_5, %get3A_6] : memref<512x16xf32, #tpu.memory_space<vmem>>, vector<512x16xf32>
    %get3A_8 = arith.constant 0 : index
    %get3A_9 = arith.constant 0 : index
    %get3A_10 = vector.load %arg5[%get3A_8, %get3A_9] : memref<256x16xf32, #tpu.memory_space<vmem>>, vector<256x16xf32>
    %get3A_11 = arith.constant 0 : index
    %get3A_12 = arith.constant 0 : index
    %get3A_13 = vector.load %arg6[%get3A_11, %get3A_12] : memref<1x512xf32, #tpu.memory_space<vmem>>, vector<1x512xf32>
    %slice3A = vector.extract_strided_slice %get3A_1 {offsets = [0, 0], sizes = [256, 16], strides = [1, 1]} : vector<256x416xf32> to vector<256x16xf32>
    %tile3A = tpu.concatenate %slice3A, %slice3A, %slice3A, %slice3A, %slice3A, %slice3A, %slice3A, %slice3A, %slice3A, %slice3A, %slice3A, %slice3A, %slice3A, %slice3A, %slice3A, %slice3A, %slice3A, %slice3A, %slice3A, %slice3A, %slice3A, %slice3A, %slice3A, %slice3A, %slice3A in 1 : vector<256x16xf32>, vector<256x16xf32>, vector<256x16xf32>, vector<256x16xf32>, vector<256x16xf32>, vector<256x16xf32>, vector<256x16xf32>, vector<256x16xf32>, vector<256x16xf32>, vector<256x16xf32>, vector<256x16xf32>, vector<256x16xf32>, vector<256x16xf32>, vector<256x16xf32>, vector<256x16xf32>, vector<256x16xf32>, vector<256x16xf32>, vector<256x16xf32>, vector<256x16xf32>, vector<256x16xf32>, vector<256x16xf32>, vector<256x16xf32>, vector<256x16xf32>, vector<256x16xf32>, vector<256x16xf32> -> vector<256x400xf32>
    %slice3A_14 = vector.extract_strided_slice %get3A_1 {offsets = [0, 16], sizes = [256, 16], strides = [1, 1]} : vector<256x416xf32> to vector<256x16xf32>
    %tile3A_15 = tpu.concatenate %slice3A_14, %slice3A_14, %slice3A_14, %slice3A_14, %slice3A_14, %slice3A_14, %slice3A_14, %slice3A_14, %slice3A_14, %slice3A_14, %slice3A_14, %slice3A_14, %slice3A_14, %slice3A_14, %slice3A_14, %slice3A_14, %slice3A_14, %slice3A_14, %slice3A_14, %slice3A_14, %slice3A_14, %slice3A_14, %slice3A_14, %slice3A_14 in 1 : vector<256x16xf32>, vector<256x16xf32>, vector<256x16xf32>, vector<256x16xf32>, vector<256x16xf32>, vector<256x16xf32>, vector<256x16xf32>, vector<256x16xf32>, vector<256x16xf32>, vector<256x16xf32>, vector<256x16xf32>, vector<256x16xf32>, vector<256x16xf32>, vector<256x16xf32>, vector<256x16xf32>, vector<256x16xf32>, vector<256x16xf32>, vector<256x16xf32>, vector<256x16xf32>, vector<256x16xf32>, vector<256x16xf32>, vector<256x16xf32>, vector<256x16xf32>, vector<256x16xf32> -> vector<256x384xf32>
    %slice3A_16 = vector.extract_strided_slice %get3A_1 {offsets = [0, 32], sizes = [256, 16], strides = [1, 1]} : vector<256x416xf32> to vector<256x16xf32>
    %tile3A_17 = tpu.concatenate %slice3A_16, %slice3A_16, %slice3A_16, %slice3A_16, %slice3A_16, %slice3A_16, %slice3A_16, %slice3A_16, %slice3A_16, %slice3A_16, %slice3A_16, %slice3A_16, %slice3A_16, %slice3A_16, %slice3A_16, %slice3A_16, %slice3A_16, %slice3A_16, %slice3A_16, %slice3A_16, %slice3A_16, %slice3A_16, %slice3A_16 in 1 : vector<256x16xf32>, vector<256x16xf32>, vector<256x16xf32>, vector<256x16xf32>, vector<256x16xf32>, vector<256x16xf32>, vector<256x16xf32>, vector<256x16xf32>, vector<256x16xf32>, vector<256x16xf32>, vector<256x16xf32>, vector<256x16xf32>, vector<256x16xf32>, vector<256x16xf32>, vector<256x16xf32>, vector<256x16xf32>, vector<256x16xf32>, vector<256x16xf32>, vector<256x16xf32>, vector<256x16xf32>, vector<256x16xf32>, vector<256x16xf32>, vector<256x16xf32> -> vector<256x368xf32>
    %slice3A_18 = vector.extract_strided_slice %get3A_1 {offsets = [0, 48], sizes = [256, 16], strides = [1, 1]} : vector<256x416xf32> to vector<256x16xf32>
    %tile3A_19 = tpu.concatenate %slice3A_18, %slice3A_18, %slice3A_18, %slice3A_18, %slice3A_18, %slice3A_18, %slice3A_18, %slice3A_18, %slice3A_18, %slice3A_18, %slice3A_18, %slice3A_18, %slice3A_18, %slice3A_18, %slice3A_18, %slice3A_18, %slice3A_18, %slice3A_18, %slice3A_18, %slice3A_18, %slice3A_18, %slice3A_18 in 1 : vector<256x16xf32>, vector<256x16xf32>, vector<256x16xf32>, vector<256x16xf32>, vector<256x16xf32>, vector<256x16xf32>, vector<256x16xf32>, vector<256x16xf32>, vector<256x16xf32>, vector<256x16xf32>, vector<256x16xf32>, vector<256x16xf32>, vector<256x16xf32>, vector<256x16xf32>, vector<256x16xf32>, vector<256x16xf32>, vector<256x16xf32>, vector<256x16xf32>, vector<256x16xf32>, vector<256x16xf32>, vector<256x16xf32>, vector<256x16xf32> -> vector<256x352xf32>
    %slice3A_20 = vector.extract_strided_slice %get3A_1 {offsets = [0, 64], sizes = [256, 16], strides = [1, 1]} : vector<256x416xf32> to vector<256x16xf32>
    %tile3A_21 = tpu.concatenate %slice3A_20, %slice3A_20, %slice3A_20, %slice3A_20, %slice3A_20, %slice3A_20, %slice3A_20, %slice3A_20, %slice3A_20, %slice3A_20, %slice3A_20, %slice3A_20, %slice3A_20, %slice3A_20, %slice3A_20, %slice3A_20, %slice3A_20, %slice3A_20, %slice3A_20, %slice3A_20, %slice3A_20 in 1 : vector<256x16xf32>, vector<256x16xf32>, vector<256x16xf32>, vector<256x16xf32>, vector<256x16xf32>, vector<256x16xf32>, vector<256x16xf32>, vector<256x16xf32>, vector<256x16xf32>, vector<256x16xf32>, vector<256x16xf32>, vector<256x16xf32>, vector<256x16xf32>, vector<256x16xf32>, vector<256x16xf32>, vector<256x16xf32>, vector<256x16xf32>, vector<256x16xf32>, vector<256x16xf32>, vector<256x16xf32>, vector<256x16xf32> -> vector<256x336xf32>
    %slice3A_22 = vector.extract_strided_slice %get3A_1 {offsets = [0, 80], sizes = [256, 16], strides = [1, 1]} : vector<256x416xf32> to vector<256x16xf32>
    %tile3A_23 = tpu.concatenate %slice3A_22, %slice3A_22, %slice3A_22, %slice3A_22, %slice3A_22, %slice3A_22, %slice3A_22, %slice3A_22, %slice3A_22, %slice3A_22, %slice3A_22, %slice3A_22, %slice3A_22, %slice3A_22, %slice3A_22, %slice3A_22, %slice3A_22, %slice3A_22, %slice3A_22, %slice3A_22 in 1 : vector<256x16xf32>, vector<256x16xf32>, vector<256x16xf32>, vector<256x16xf32>, vector<256x16xf32>, vector<256x16xf32>, vector<256x16xf32>, vector<256x16xf32>, vector<256x16xf32>, vector<256x16xf32>, vector<256x16xf32>, vector<256x16xf32>, vector<256x16xf32>, vector<256x16xf32>, vector<256x16xf32>, vector<256x16xf32>, vector<256x16xf32>, vector<256x16xf32>, vector<256x16xf32>, vector<256x16xf32> -> vector<256x320xf32>
    %slice3A_24 = vector.extract_strided_slice %get3A_1 {offsets = [0, 96], sizes = [256, 16], strides = [1, 1]} : vector<256x416xf32> to vector<256x16xf32>
    %tile3A_25 = tpu.concatenate %slice3A_24, %slice3A_24, %slice3A_24, %slice3A_24, %slice3A_24, %slice3A_24, %slice3A_24, %slice3A_24, %slice3A_24, %slice3A_24, %slice3A_24, %slice3A_24, %slice3A_24, %slice3A_24, %slice3A_24, %slice3A_24, %slice3A_24, %slice3A_24, %slice3A_24 in 1 : vector<256x16xf32>, vector<256x16xf32>, vector<256x16xf32>, vector<256x16xf32>, vector<256x16xf32>, vector<256x16xf32>, vector<256x16xf32>, vector<256x16xf32>, vector<256x16xf32>, vector<256x16xf32>, vector<256x16xf32>, vector<256x16xf32>, vector<256x16xf32>, vector<256x16xf32>, vector<256x16xf32>, vector<256x16xf32>, vector<256x16xf32>, vector<256x16xf32>, vector<256x16xf32> -> vector<256x304xf32>
    %slice3A_26 = vector.extract_strided_slice %get3A_1 {offsets = [0, 112], sizes = [256, 16], strides = [1, 1]} : vector<256x416xf32> to vector<256x16xf32>
    %tile3A_27 = tpu.concatenate %slice3A_26, %slice3A_26, %slice3A_26, %slice3A_26, %slice3A_26, %slice3A_26, %slice3A_26, %slice3A_26, %slice3A_26, %slice3A_26, %slice3A_26, %slice3A_26, %slice3A_26, %slice3A_26, %slice3A_26, %slice3A_26, %slice3A_26, %slice3A_26 in 1 : vector<256x16xf32>, vector<256x16xf32>, vector<256x16xf32>, vector<256x16xf32>, vector<256x16xf32>, vector<256x16xf32>, vector<256x16xf32>, vector<256x16xf32>, vector<256x16xf32>, vector<256x16xf32>, vector<256x16xf32>, vector<256x16xf32>, vector<256x16xf32>, vector<256x16xf32>, vector<256x16xf32>, vector<256x16xf32>, vector<256x16xf32>, vector<256x16xf32> -> vector<256x288xf32>
    %slice3A_28 = vector.extract_strided_slice %get3A_1 {offsets = [0, 128], sizes = [256, 16], strides = [1, 1]} : vector<256x416xf32> to vector<256x16xf32>
    %tile3A_29 = tpu.concatenate %slice3A_28, %slice3A_28, %slice3A_28, %slice3A_28, %slice3A_28, %slice3A_28, %slice3A_28, %slice3A_28, %slice3A_28, %slice3A_28, %slice3A_28, %slice3A_28, %slice3A_28, %slice3A_28, %slice3A_28, %slice3A_28, %slice3A_28 in 1 : vector<256x16xf32>, vector<256x16xf32>, vector<256x16xf32>, vector<256x16xf32>, vector<256x16xf32>, vector<256x16xf32>, vector<256x16xf32>, vector<256x16xf32>, vector<256x16xf32>, vector<256x16xf32>, vector<256x16xf32>, vector<256x16xf32>, vector<256x16xf32>, vector<256x16xf32>, vector<256x16xf32>, vector<256x16xf32>, vector<256x16xf32> -> vector<256x272xf32>
    %slice3A_30 = vector.extract_strided_slice %get3A_1 {offsets = [0, 144], sizes = [256, 16], strides = [1, 1]} : vector<256x416xf32> to vector<256x16xf32>
    %tile3A_31 = tpu.concatenate %slice3A_30, %slice3A_30, %slice3A_30, %slice3A_30, %slice3A_30, %slice3A_30, %slice3A_30, %slice3A_30, %slice3A_30, %slice3A_30, %slice3A_30, %slice3A_30, %slice3A_30, %slice3A_30, %slice3A_30, %slice3A_30 in 1 : vector<256x16xf32>, vector<256x16xf32>, vector<256x16xf32>, vector<256x16xf32>, vector<256x16xf32>, vector<256x16xf32>, vector<256x16xf32>, vector<256x16xf32>, vector<256x16xf32>, vector<256x16xf32>, vector<256x16xf32>, vector<256x16xf32>, vector<256x16xf32>, vector<256x16xf32>, vector<256x16xf32>, vector<256x16xf32> -> vector<256x256xf32>
    %slice3A_32 = vector.extract_strided_slice %get3A_1 {offsets = [0, 160], sizes = [256, 16], strides = [1, 1]} : vector<256x416xf32> to vector<256x16xf32>
    %tile3A_33 = tpu.concatenate %slice3A_32, %slice3A_32, %slice3A_32, %slice3A_32, %slice3A_32, %slice3A_32, %slice3A_32, %slice3A_32, %slice3A_32, %slice3A_32, %slice3A_32, %slice3A_32, %slice3A_32, %slice3A_32, %slice3A_32 in 1 : vector<256x16xf32>, vector<256x16xf32>, vector<256x16xf32>, vector<256x16xf32>, vector<256x16xf32>, vector<256x16xf32>, vector<256x16xf32>, vector<256x16xf32>, vector<256x16xf32>, vector<256x16xf32>, vector<256x16xf32>, vector<256x16xf32>, vector<256x16xf32>, vector<256x16xf32>, vector<256x16xf32> -> vector<256x240xf32>
    %slice3A_34 = vector.extract_strided_slice %get3A_1 {offsets = [0, 176], sizes = [256, 16], strides = [1, 1]} : vector<256x416xf32> to vector<256x16xf32>
    %tile3A_35 = tpu.concatenate %slice3A_34, %slice3A_34, %slice3A_34, %slice3A_34, %slice3A_34, %slice3A_34, %slice3A_34, %slice3A_34, %slice3A_34, %slice3A_34, %slice3A_34, %slice3A_34, %slice3A_34, %slice3A_34 in 1 : vector<256x16xf32>, vector<256x16xf32>, vector<256x16xf32>, vector<256x16xf32>, vector<256x16xf32>, vector<256x16xf32>, vector<256x16xf32>, vector<256x16xf32>, vector<256x16xf32>, vector<256x16xf32>, vector<256x16xf32>, vector<256x16xf32>, vector<256x16xf32>, vector<256x16xf32> -> vector<256x224xf32>
    %slice3A_36 = vector.extract_strided_slice %get3A_1 {offsets = [0, 192], sizes = [256, 16], strides = [1, 1]} : vector<256x416xf32> to vector<256x16xf32>
    %tile3A_37 = tpu.concatenate %slice3A_36, %slice3A_36, %slice3A_36, %slice3A_36, %slice3A_36, %slice3A_36, %slice3A_36, %slice3A_36, %slice3A_36, %slice3A_36, %slice3A_36, %slice3A_36, %slice3A_36 in 1 : vector<256x16xf32>, vector<256x16xf32>, vector<256x16xf32>, vector<256x16xf32>, vector<256x16xf32>, vector<256x16xf32>, vector<256x16xf32>, vector<256x16xf32>, vector<256x16xf32>, vector<256x16xf32>, vector<256x16xf32>, vector<256x16xf32>, vector<256x16xf32> -> vector<256x208xf32>
    %slice3A_38 = vector.extract_strided_slice %get3A_1 {offsets = [0, 208], sizes = [256, 16], strides = [1, 1]} : vector<256x416xf32> to vector<256x16xf32>
    %tile3A_39 = tpu.concatenate %slice3A_38, %slice3A_38, %slice3A_38, %slice3A_38, %slice3A_38, %slice3A_38, %slice3A_38, %slice3A_38, %slice3A_38, %slice3A_38, %slice3A_38, %slice3A_38 in 1 : vector<256x16xf32>, vector<256x16xf32>, vector<256x16xf32>, vector<256x16xf32>, vector<256x16xf32>, vector<256x16xf32>, vector<256x16xf32>, vector<256x16xf32>, vector<256x16xf32>, vector<256x16xf32>, vector<256x16xf32>, vector<256x16xf32> -> vector<256x192xf32>
    %slice3A_40 = vector.extract_strided_slice %get3A_1 {offsets = [0, 224], sizes = [256, 16], strides = [1, 1]} : vector<256x416xf32> to vector<256x16xf32>
    %tile3A_41 = tpu.concatenate %slice3A_40, %slice3A_40, %slice3A_40, %slice3A_40, %slice3A_40, %slice3A_40, %slice3A_40, %slice3A_40, %slice3A_40, %slice3A_40, %slice3A_40 in 1 : vector<256x16xf32>, vector<256x16xf32>, vector<256x16xf32>, vector<256x16xf32>, vector<256x16xf32>, vector<256x16xf32>, vector<256x16xf32>, vector<256x16xf32>, vector<256x16xf32>, vector<256x16xf32>, vector<256x16xf32> -> vector<256x176xf32>
    %slice3A_42 = vector.extract_strided_slice %get3A_1 {offsets = [0, 240], sizes = [256, 16], strides = [1, 1]} : vector<256x416xf32> to vector<256x16xf32>
    %tile3A_43 = tpu.concatenate %slice3A_42, %slice3A_42, %slice3A_42, %slice3A_42, %slice3A_42, %slice3A_42, %slice3A_42, %slice3A_42, %slice3A_42, %slice3A_42 in 1 : vector<256x16xf32>, vector<256x16xf32>, vector<256x16xf32>, vector<256x16xf32>, vector<256x16xf32>, vector<256x16xf32>, vector<256x16xf32>, vector<256x16xf32>, vector<256x16xf32>, vector<256x16xf32> -> vector<256x160xf32>
    %slice3A_44 = vector.extract_strided_slice %get3A_1 {offsets = [0, 256], sizes = [256, 16], strides = [1, 1]} : vector<256x416xf32> to vector<256x16xf32>
    %tile3A_45 = tpu.concatenate %slice3A_44, %slice3A_44, %slice3A_44, %slice3A_44, %slice3A_44, %slice3A_44, %slice3A_44, %slice3A_44, %slice3A_44 in 1 : vector<256x16xf32>, vector<256x16xf32>, vector<256x16xf32>, vector<256x16xf32>, vector<256x16xf32>, vector<256x16xf32>, vector<256x16xf32>, vector<256x16xf32>, vector<256x16xf32> -> vector<256x144xf32>
    %slice3A_46 = vector.extract_strided_slice %get3A_1 {offsets = [0, 272], sizes = [256, 16], strides = [1, 1]} : vector<256x416xf32> to vector<256x16xf32>
    %tile3A_47 = tpu.concatenate %slice3A_46, %slice3A_46, %slice3A_46, %slice3A_46, %slice3A_46, %slice3A_46, %slice3A_46, %slice3A_46 in 1 : vector<256x16xf32>, vector<256x16xf32>, vector<256x16xf32>, vector<256x16xf32>, vector<256x16xf32>, vector<256x16xf32>, vector<256x16xf32>, vector<256x16xf32> -> vector<256x128xf32>
    %slice3A_48 = vector.extract_strided_slice %get3A_1 {offsets = [0, 288], sizes = [256, 16], strides = [1, 1]} : vector<256x416xf32> to vector<256x16xf32>
    %tile3A_49 = tpu.concatenate %slice3A_48, %slice3A_48, %slice3A_48, %slice3A_48, %slice3A_48, %slice3A_48, %slice3A_48 in 1 : vector<256x16xf32>, vector<256x16xf32>, vector<256x16xf32>, vector<256x16xf32>, vector<256x16xf32>, vector<256x16xf32>, vector<256x16xf32> -> vector<256x112xf32>
    %slice3A_50 = vector.extract_strided_slice %get3A_1 {offsets = [0, 304], sizes = [256, 16], strides = [1, 1]} : vector<256x416xf32> to vector<256x16xf32>
    %tile3A_51 = tpu.concatenate %slice3A_50, %slice3A_50, %slice3A_50, %slice3A_50, %slice3A_50, %slice3A_50 in 1 : vector<256x16xf32>, vector<256x16xf32>, vector<256x16xf32>, vector<256x16xf32>, vector<256x16xf32>, vector<256x16xf32> -> vector<256x96xf32>
    %slice3A_52 = vector.extract_strided_slice %get3A_1 {offsets = [0, 320], sizes = [256, 16], strides = [1, 1]} : vector<256x416xf32> to vector<256x16xf32>
    %tile3A_53 = tpu.concatenate %slice3A_52, %slice3A_52, %slice3A_52, %slice3A_52, %slice3A_52 in 1 : vector<256x16xf32>, vector<256x16xf32>, vector<256x16xf32>, vector<256x16xf32>, vector<256x16xf32> -> vector<256x80xf32>
    %slice3A_54 = vector.extract_strided_slice %get3A_1 {offsets = [0, 336], sizes = [256, 16], strides = [1, 1]} : vector<256x416xf32> to vector<256x16xf32>
    %tile3A_55 = tpu.concatenate %slice3A_54, %slice3A_54, %slice3A_54, %slice3A_54 in 1 : vector<256x16xf32>, vector<256x16xf32>, vector<256x16xf32>, vector<256x16xf32> -> vector<256x64xf32>
    %slice3A_56 = vector.extract_strided_slice %get3A_1 {offsets = [0, 352], sizes = [256, 16], strides = [1, 1]} : vector<256x416xf32> to vector<256x16xf32>
    %tile3A_57 = tpu.concatenate %slice3A_56, %slice3A_56, %slice3A_56 in 1 : vector<256x16xf32>, vector<256x16xf32>, vector<256x16xf32> -> vector<256x48xf32>
    %slice3A_58 = vector.extract_strided_slice %get3A_1 {offsets = [0, 368], sizes = [256, 16], strides = [1, 1]} : vector<256x416xf32> to vector<256x16xf32>
    %tile3A_59 = tpu.concatenate %slice3A_58, %slice3A_58 in 1 : vector<256x16xf32>, vector<256x16xf32> -> vector<256x32xf32>
    %slice3A_60 = vector.extract_strided_slice %get3A_1 {offsets = [0, 384], sizes = [256, 16], strides = [1, 1]} : vector<256x416xf32> to vector<256x16xf32>
    %slice3A_61 = vector.extract_strided_slice %get3A_1 {offsets = [0, 16], sizes = [256, 400], strides = [1, 1]} : vector<256x416xf32> to vector<256x400xf32>
    %slice3A_62 = vector.extract_strided_slice %get3A_1 {offsets = [0, 32], sizes = [256, 384], strides = [1, 1]} : vector<256x416xf32> to vector<256x384xf32>
    %slice3A_63 = vector.extract_strided_slice %get3A_1 {offsets = [0, 48], sizes = [256, 368], strides = [1, 1]} : vector<256x416xf32> to vector<256x368xf32>
    %slice3A_64 = vector.extract_strided_slice %get3A_1 {offsets = [0, 64], sizes = [256, 352], strides = [1, 1]} : vector<256x416xf32> to vector<256x352xf32>
    %slice3A_65 = vector.extract_strided_slice %get3A_1 {offsets = [0, 80], sizes = [256, 336], strides = [1, 1]} : vector<256x416xf32> to vector<256x336xf32>
    %slice3A_66 = vector.extract_strided_slice %get3A_1 {offsets = [0, 96], sizes = [256, 320], strides = [1, 1]} : vector<256x416xf32> to vector<256x320xf32>
    %slice3A_67 = vector.extract_strided_slice %get3A_1 {offsets = [0, 112], sizes = [256, 304], strides = [1, 1]} : vector<256x416xf32> to vector<256x304xf32>
    %slice3A_68 = vector.extract_strided_slice %get3A_1 {offsets = [0, 128], sizes = [256, 288], strides = [1, 1]} : vector<256x416xf32> to vector<256x288xf32>
    %slice3A_69 = vector.extract_strided_slice %get3A_1 {offsets = [0, 144], sizes = [256, 272], strides = [1, 1]} : vector<256x416xf32> to vector<256x272xf32>
    %slice3A_70 = vector.extract_strided_slice %get3A_1 {offsets = [0, 160], sizes = [256, 256], strides = [1, 1]} : vector<256x416xf32> to vector<256x256xf32>
    %slice3A_71 = vector.extract_strided_slice %get3A_1 {offsets = [0, 176], sizes = [256, 240], strides = [1, 1]} : vector<256x416xf32> to vector<256x240xf32>
    %slice3A_72 = vector.extract_strided_slice %get3A_1 {offsets = [0, 192], sizes = [256, 224], strides = [1, 1]} : vector<256x416xf32> to vector<256x224xf32>
    %slice3A_73 = vector.extract_strided_slice %get3A_1 {offsets = [0, 208], sizes = [256, 208], strides = [1, 1]} : vector<256x416xf32> to vector<256x208xf32>
    %slice3A_74 = vector.extract_strided_slice %get3A_1 {offsets = [0, 224], sizes = [256, 192], strides = [1, 1]} : vector<256x416xf32> to vector<256x192xf32>
    %slice3A_75 = vector.extract_strided_slice %get3A_1 {offsets = [0, 240], sizes = [256, 176], strides = [1, 1]} : vector<256x416xf32> to vector<256x176xf32>
    %slice3A_76 = vector.extract_strided_slice %get3A_1 {offsets = [0, 256], sizes = [256, 160], strides = [1, 1]} : vector<256x416xf32> to vector<256x160xf32>
    %slice3A_77 = vector.extract_strided_slice %get3A_1 {offsets = [0, 272], sizes = [256, 144], strides = [1, 1]} : vector<256x416xf32> to vector<256x144xf32>
    %slice3A_78 = vector.extract_strided_slice %get3A_1 {offsets = [0, 288], sizes = [256, 128], strides = [1, 1]} : vector<256x416xf32> to vector<256x128xf32>
    %slice3A_79 = vector.extract_strided_slice %get3A_1 {offsets = [0, 304], sizes = [256, 112], strides = [1, 1]} : vector<256x416xf32> to vector<256x112xf32>
    %slice3A_80 = vector.extract_strided_slice %get3A_1 {offsets = [0, 320], sizes = [256, 96], strides = [1, 1]} : vector<256x416xf32> to vector<256x96xf32>
    %slice3A_81 = vector.extract_strided_slice %get3A_1 {offsets = [0, 336], sizes = [256, 80], strides = [1, 1]} : vector<256x416xf32> to vector<256x80xf32>
    %slice3A_82 = vector.extract_strided_slice %get3A_1 {offsets = [0, 352], sizes = [256, 64], strides = [1, 1]} : vector<256x416xf32> to vector<256x64xf32>
    %slice3A_83 = vector.extract_strided_slice %get3A_1 {offsets = [0, 368], sizes = [256, 48], strides = [1, 1]} : vector<256x416xf32> to vector<256x48xf32>
    %slice3A_84 = vector.extract_strided_slice %get3A_1 {offsets = [0, 384], sizes = [256, 32], strides = [1, 1]} : vector<256x416xf32> to vector<256x32xf32>
    %slice3A_85 = vector.extract_strided_slice %get3A_1 {offsets = [0, 400], sizes = [256, 16], strides = [1, 1]} : vector<256x416xf32> to vector<256x16xf32>
    %concatenate3A = tpu.concatenate %tile3A, %tile3A_15, %tile3A_17, %tile3A_19, %tile3A_21, %tile3A_23, %tile3A_25, %tile3A_27, %tile3A_29, %tile3A_31, %tile3A_33, %tile3A_35, %tile3A_37, %tile3A_39, %tile3A_41, %tile3A_43, %tile3A_45, %tile3A_47, %tile3A_49, %tile3A_51, %tile3A_53, %tile3A_55, %tile3A_57, %tile3A_59, %slice3A_60 in 1 : vector<256x400xf32>, vector<256x384xf32>, vector<256x368xf32>, vector<256x352xf32>, vector<256x336xf32>, vector<256x320xf32>, vector<256x304xf32>, vector<256x288xf32>, vector<256x272xf32>, vector<256x256xf32>, vector<256x240xf32>, vector<256x224xf32>, vector<256x208xf32>, vector<256x192xf32>, vector<256x176xf32>, vector<256x160xf32>, vector<256x144xf32>, vector<256x128xf32>, vector<256x112xf32>, vector<256x96xf32>, vector<256x80xf32>, vector<256x64xf32>, vector<256x48xf32>, vector<256x32xf32>, vector<256x16xf32> -> vector<256x5200xf32>
    %concatenate3A_86 = tpu.concatenate %slice3A_61, %slice3A_62, %slice3A_63, %slice3A_64, %slice3A_65, %slice3A_66, %slice3A_67, %slice3A_68, %slice3A_69, %slice3A_70, %slice3A_71, %slice3A_72, %slice3A_73, %slice3A_74, %slice3A_75, %slice3A_76, %slice3A_77, %slice3A_78, %slice3A_79, %slice3A_80, %slice3A_81, %slice3A_82, %slice3A_83, %slice3A_84, %slice3A_85 in 1 : vector<256x400xf32>, vector<256x384xf32>, vector<256x368xf32>, vector<256x352xf32>, vector<256x336xf32>, vector<256x320xf32>, vector<256x304xf32>, vector<256x288xf32>, vector<256x272xf32>, vector<256x256xf32>, vector<256x240xf32>, vector<256x224xf32>, vector<256x208xf32>, vector<256x192xf32>, vector<256x176xf32>, vector<256x160xf32>, vector<256x144xf32>, vector<256x128xf32>, vector<256x112xf32>, vector<256x96xf32>, vector<256x80xf32>, vector<256x64xf32>, vector<256x48xf32>, vector<256x32xf32>, vector<256x16xf32> -> vector<256x5200xf32>
    %mul3A = arith.mulf %concatenate3A, %concatenate3A_86 : vector<256x5200xf32>
    %broadcast_in_dim3A = arith.constant 0.000000e+00 : f32
    %broadcast_in_dim3A_87 = vector.broadcast %broadcast_in_dim3A : f32 to vector<256x176xf32>
    %concatenate3A_88 = tpu.concatenate %mul3A, %broadcast_in_dim3A_87 in 1 : vector<256x5200xf32>, vector<256x176xf32> -> vector<256x5376xf32>
    %slice3A_89 = vector.extract_strided_slice %concatenate3A_88 {offsets = [0, 0], sizes = [256, 256], strides = [1, 1]} : vector<256x5376xf32> to vector<256x256xf32>
    %dot_general3A = arith.constant dense<0.000000e+00> : vector<256x512xf32>
    %dot_general3A_90 = tpu.matmul %slice3A_89, %get3A_4, %dot_general3A {dimension_numbers = #tpu.dot_dimension_numbers<[1], [0], [0], [1], [0, 0, 1, 1], [], []>, transpose_lhs_hint = false} : vector<256x256xf32>, vector<256x512xf32>, vector<256x512xf32> -> vector<256x512xf32>
    %add3A = vector.broadcast %get3A_13 : vector<1x512xf32> to vector<256x512xf32>
    %add3A_91 = arith.addf %dot_general3A_90, %add3A : vector<256x512xf32>
    %max3A = arith.constant 0.000000e+00 : f32
    %max3A_92 = vector.broadcast %max3A : f32 to vector<256x512xf32>
    %max3A_93 = arith.maximumf %add3A_91, %max3A_92 : vector<256x512xf32>
    %dot_general3A_94 = arith.constant dense<0.000000e+00> : vector<256x16xf32>
    %dot_general3A_95 = tpu.matmul %max3A_93, %get3A_7, %dot_general3A_94 {dimension_numbers = #tpu.dot_dimension_numbers<[1], [0], [0], [1], [0, 0, 1, 1], [], []>, transpose_lhs_hint = false} : vector<256x512xf32>, vector<512x16xf32>, vector<256x16xf32> -> vector<256x16xf32>
    %dot_general3A_96 = arith.constant dense<0.000000e+00> : vector<256x16xf32>
    %dot_general3A_97 = tpu.matmul %slice3A_89, %get3A_10, %dot_general3A_96 {dimension_numbers = #tpu.dot_dimension_numbers<[1], [0], [0], [1], [0, 0, 1, 1], [], []>, transpose_lhs_hint = false} : vector<256x256xf32>, vector<256x16xf32>, vector<256x16xf32> -> vector<256x16xf32>
    %slice3A_98 = vector.extract_strided_slice %concatenate3A_88 {offsets = [0, 256], sizes = [256, 256], strides = [1, 1]} : vector<256x5376xf32> to vector<256x256xf32>
    %dot_general3A_99 = arith.constant dense<0.000000e+00> : vector<256x512xf32>
    %dot_general3A_100 = tpu.matmul %slice3A_98, %get3A_4, %dot_general3A_99 {dimension_numbers = #tpu.dot_dimension_numbers<[1], [0], [0], [1], [0, 0, 1, 1], [], []>, transpose_lhs_hint = false} : vector<256x256xf32>, vector<256x512xf32>, vector<256x512xf32> -> vector<256x512xf32>
    %add3A_101 = vector.broadcast %get3A_13 : vector<1x512xf32> to vector<256x512xf32>
    %add3A_102 = arith.addf %dot_general3A_100, %add3A_101 : vector<256x512xf32>
    %max3A_103 = arith.constant 0.000000e+00 : f32
    %max3A_104 = vector.broadcast %max3A_103 : f32 to vector<256x512xf32>
    %max3A_105 = arith.maximumf %add3A_102, %max3A_104 : vector<256x512xf32>
    %dot_general3A_106 = arith.constant dense<0.000000e+00> : vector<256x16xf32>
    %dot_general3A_107 = tpu.matmul %max3A_105, %get3A_7, %dot_general3A_106 {dimension_numbers = #tpu.dot_dimension_numbers<[1], [0], [0], [1], [0, 0, 1, 1], [], []>, transpose_lhs_hint = false} : vector<256x512xf32>, vector<512x16xf32>, vector<256x16xf32> -> vector<256x16xf32>
    %dot_general3A_108 = arith.constant dense<0.000000e+00> : vector<256x16xf32>
    %dot_general3A_109 = tpu.matmul %slice3A_98, %get3A_10, %dot_general3A_108 {dimension_numbers = #tpu.dot_dimension_numbers<[1], [0], [0], [1], [0, 0, 1, 1], [], []>, transpose_lhs_hint = false} : vector<256x256xf32>, vector<256x16xf32>, vector<256x16xf32> -> vector<256x16xf32>
    %slice3A_110 = vector.extract_strided_slice %concatenate3A_88 {offsets = [0, 512], sizes = [256, 256], strides = [1, 1]} : vector<256x5376xf32> to vector<256x256xf32>
    %dot_general3A_111 = arith.constant dense<0.000000e+00> : vector<256x512xf32>
    %dot_general3A_112 = tpu.matmul %slice3A_110, %get3A_4, %dot_general3A_111 {dimension_numbers = #tpu.dot_dimension_numbers<[1], [0], [0], [1], [0, 0, 1, 1], [], []>, transpose_lhs_hint = false} : vector<256x256xf32>, vector<256x512xf32>, vector<256x512xf32> -> vector<256x512xf32>
    %add3A_113 = vector.broadcast %get3A_13 : vector<1x512xf32> to vector<256x512xf32>
    %add3A_114 = arith.addf %dot_general3A_112, %add3A_113 : vector<256x512xf32>
    %max3A_115 = arith.constant 0.000000e+00 : f32
    %max3A_116 = vector.broadcast %max3A_115 : f32 to vector<256x512xf32>
    %max3A_117 = arith.maximumf %add3A_114, %max3A_116 : vector<256x512xf32>
    %dot_general3A_118 = arith.constant dense<0.000000e+00> : vector<256x16xf32>
    %dot_general3A_119 = tpu.matmul %max3A_117, %get3A_7, %dot_general3A_118 {dimension_numbers = #tpu.dot_dimension_numbers<[1], [0], [0], [1], [0, 0, 1, 1], [], []>, transpose_lhs_hint = false} : vector<256x512xf32>, vector<512x16xf32>, vector<256x16xf32> -> vector<256x16xf32>
    %dot_general3A_120 = arith.constant dense<0.000000e+00> : vector<256x16xf32>
    %dot_general3A_121 = tpu.matmul %slice3A_110, %get3A_10, %dot_general3A_120 {dimension_numbers = #tpu.dot_dimension_numbers<[1], [0], [0], [1], [0, 0, 1, 1], [], []>, transpose_lhs_hint = false} : vector<256x256xf32>, vector<256x16xf32>, vector<256x16xf32> -> vector<256x16xf32>
    %slice3A_122 = vector.extract_strided_slice %concatenate3A_88 {offsets = [0, 768], sizes = [256, 256], strides = [1, 1]} : vector<256x5376xf32> to vector<256x256xf32>
    %dot_general3A_123 = arith.constant dense<0.000000e+00> : vector<256x512xf32>
    %dot_general3A_124 = tpu.matmul %slice3A_122, %get3A_4, %dot_general3A_123 {dimension_numbers = #tpu.dot_dimension_numbers<[1], [0], [0], [1], [0, 0, 1, 1], [], []>, transpose_lhs_hint = false} : vector<256x256xf32>, vector<256x512xf32>, vector<256x512xf32> -> vector<256x512xf32>
    %add3A_125 = vector.broadcast %get3A_13 : vector<1x512xf32> to vector<256x512xf32>
    %add3A_126 = arith.addf %dot_general3A_124, %add3A_125 : vector<256x512xf32>
    %max3A_127 = arith.constant 0.000000e+00 : f32
    %max3A_128 = vector.broadcast %max3A_127 : f32 to vector<256x512xf32>
    %max3A_129 = arith.maximumf %add3A_126, %max3A_128 : vector<256x512xf32>
    %dot_general3A_130 = arith.constant dense<0.000000e+00> : vector<256x16xf32>
    %dot_general3A_131 = tpu.matmul %max3A_129, %get3A_7, %dot_general3A_130 {dimension_numbers = #tpu.dot_dimension_numbers<[1], [0], [0], [1], [0, 0, 1, 1], [], []>, transpose_lhs_hint = false} : vector<256x512xf32>, vector<512x16xf32>, vector<256x16xf32> -> vector<256x16xf32>
    %dot_general3A_132 = arith.constant dense<0.000000e+00> : vector<256x16xf32>
    %dot_general3A_133 = tpu.matmul %slice3A_122, %get3A_10, %dot_general3A_132 {dimension_numbers = #tpu.dot_dimension_numbers<[1], [0], [0], [1], [0, 0, 1, 1], [], []>, transpose_lhs_hint = false} : vector<256x256xf32>, vector<256x16xf32>, vector<256x16xf32> -> vector<256x16xf32>
    %slice3A_134 = vector.extract_strided_slice %concatenate3A_88 {offsets = [0, 1024], sizes = [256, 256], strides = [1, 1]} : vector<256x5376xf32> to vector<256x256xf32>
    %dot_general3A_135 = arith.constant dense<0.000000e+00> : vector<256x512xf32>
    %dot_general3A_136 = tpu.matmul %slice3A_134, %get3A_4, %dot_general3A_135 {dimension_numbers = #tpu.dot_dimension_numbers<[1], [0], [0], [1], [0, 0, 1, 1], [], []>, transpose_lhs_hint = false} : vector<256x256xf32>, vector<256x512xf32>, vector<256x512xf32> -> vector<256x512xf32>
    %add3A_137 = vector.broadcast %get3A_13 : vector<1x512xf32> to vector<256x512xf32>
    %add3A_138 = arith.addf %dot_general3A_136, %add3A_137 : vector<256x512xf32>
    %max3A_139 = arith.constant 0.000000e+00 : f32
    %max3A_140 = vector.broadcast %max3A_139 : f32 to vector<256x512xf32>
    %max3A_141 = arith.maximumf %add3A_138, %max3A_140 : vector<256x512xf32>
    %dot_general3A_142 = arith.constant dense<0.000000e+00> : vector<256x16xf32>
    %dot_general3A_143 = tpu.matmul %max3A_141, %get3A_7, %dot_general3A_142 {dimension_numbers = #tpu.dot_dimension_numbers<[1], [0], [0], [1], [0, 0, 1, 1], [], []>, transpose_lhs_hint = false} : vector<256x512xf32>, vector<512x16xf32>, vector<256x16xf32> -> vector<256x16xf32>
    %dot_general3A_144 = arith.constant dense<0.000000e+00> : vector<256x16xf32>
    %dot_general3A_145 = tpu.matmul %slice3A_134, %get3A_10, %dot_general3A_144 {dimension_numbers = #tpu.dot_dimension_numbers<[1], [0], [0], [1], [0, 0, 1, 1], [], []>, transpose_lhs_hint = false} : vector<256x256xf32>, vector<256x16xf32>, vector<256x16xf32> -> vector<256x16xf32>
    %slice3A_146 = vector.extract_strided_slice %concatenate3A_88 {offsets = [0, 1280], sizes = [256, 256], strides = [1, 1]} : vector<256x5376xf32> to vector<256x256xf32>
    %dot_general3A_147 = arith.constant dense<0.000000e+00> : vector<256x512xf32>
    %dot_general3A_148 = tpu.matmul %slice3A_146, %get3A_4, %dot_general3A_147 {dimension_numbers = #tpu.dot_dimension_numbers<[1], [0], [0], [1], [0, 0, 1, 1], [], []>, transpose_lhs_hint = false} : vector<256x256xf32>, vector<256x512xf32>, vector<256x512xf32> -> vector<256x512xf32>
    %add3A_149 = vector.broadcast %get3A_13 : vector<1x512xf32> to vector<256x512xf32>
    %add3A_150 = arith.addf %dot_general3A_148, %add3A_149 : vector<256x512xf32>
    %max3A_151 = arith.constant 0.000000e+00 : f32
    %max3A_152 = vector.broadcast %max3A_151 : f32 to vector<256x512xf32>
    %max3A_153 = arith.maximumf %add3A_150, %max3A_152 : vector<256x512xf32>
    %dot_general3A_154 = arith.constant dense<0.000000e+00> : vector<256x16xf32>
    %dot_general3A_155 = tpu.matmul %max3A_153, %get3A_7, %dot_general3A_154 {dimension_numbers = #tpu.dot_dimension_numbers<[1], [0], [0], [1], [0, 0, 1, 1], [], []>, transpose_lhs_hint = false} : vector<256x512xf32>, vector<512x16xf32>, vector<256x16xf32> -> vector<256x16xf32>
    %dot_general3A_156 = arith.constant dense<0.000000e+00> : vector<256x16xf32>
    %dot_general3A_157 = tpu.matmul %slice3A_146, %get3A_10, %dot_general3A_156 {dimension_numbers = #tpu.dot_dimension_numbers<[1], [0], [0], [1], [0, 0, 1, 1], [], []>, transpose_lhs_hint = false} : vector<256x256xf32>, vector<256x16xf32>, vector<256x16xf32> -> vector<256x16xf32>
    %slice3A_158 = vector.extract_strided_slice %concatenate3A_88 {offsets = [0, 1536], sizes = [256, 256], strides = [1, 1]} : vector<256x5376xf32> to vector<256x256xf32>
    %dot_general3A_159 = arith.constant dense<0.000000e+00> : vector<256x512xf32>
    %dot_general3A_160 = tpu.matmul %slice3A_158, %get3A_4, %dot_general3A_159 {dimension_numbers = #tpu.dot_dimension_numbers<[1], [0], [0], [1], [0, 0, 1, 1], [], []>, transpose_lhs_hint = false} : vector<256x256xf32>, vector<256x512xf32>, vector<256x512xf32> -> vector<256x512xf32>
    %add3A_161 = vector.broadcast %get3A_13 : vector<1x512xf32> to vector<256x512xf32>
    %add3A_162 = arith.addf %dot_general3A_160, %add3A_161 : vector<256x512xf32>
    %max3A_163 = arith.constant 0.000000e+00 : f32
    %max3A_164 = vector.broadcast %max3A_163 : f32 to vector<256x512xf32>
    %max3A_165 = arith.maximumf %add3A_162, %max3A_164 : vector<256x512xf32>
    %dot_general3A_166 = arith.constant dense<0.000000e+00> : vector<256x16xf32>
    %dot_general3A_167 = tpu.matmul %max3A_165, %get3A_7, %dot_general3A_166 {dimension_numbers = #tpu.dot_dimension_numbers<[1], [0], [0], [1], [0, 0, 1, 1], [], []>, transpose_lhs_hint = false} : vector<256x512xf32>, vector<512x16xf32>, vector<256x16xf32> -> vector<256x16xf32>
    %dot_general3A_168 = arith.constant dense<0.000000e+00> : vector<256x16xf32>
    %dot_general3A_169 = tpu.matmul %slice3A_158, %get3A_10, %dot_general3A_168 {dimension_numbers = #tpu.dot_dimension_numbers<[1], [0], [0], [1], [0, 0, 1, 1], [], []>, transpose_lhs_hint = false} : vector<256x256xf32>, vector<256x16xf32>, vector<256x16xf32> -> vector<256x16xf32>
    %slice3A_170 = vector.extract_strided_slice %concatenate3A_88 {offsets = [0, 1792], sizes = [256, 256], strides = [1, 1]} : vector<256x5376xf32> to vector<256x256xf32>
    %dot_general3A_171 = arith.constant dense<0.000000e+00> : vector<256x512xf32>
    %dot_general3A_172 = tpu.matmul %slice3A_170, %get3A_4, %dot_general3A_171 {dimension_numbers = #tpu.dot_dimension_numbers<[1], [0], [0], [1], [0, 0, 1, 1], [], []>, transpose_lhs_hint = false} : vector<256x256xf32>, vector<256x512xf32>, vector<256x512xf32> -> vector<256x512xf32>
    %add3A_173 = vector.broadcast %get3A_13 : vector<1x512xf32> to vector<256x512xf32>
    %add3A_174 = arith.addf %dot_general3A_172, %add3A_173 : vector<256x512xf32>
    %max3A_175 = arith.constant 0.000000e+00 : f32
    %max3A_176 = vector.broadcast %max3A_175 : f32 to vector<256x512xf32>
    %max3A_177 = arith.maximumf %add3A_174, %max3A_176 : vector<256x512xf32>
    %dot_general3A_178 = arith.constant dense<0.000000e+00> : vector<256x16xf32>
    %dot_general3A_179 = tpu.matmul %max3A_177, %get3A_7, %dot_general3A_178 {dimension_numbers = #tpu.dot_dimension_numbers<[1], [0], [0], [1], [0, 0, 1, 1], [], []>, transpose_lhs_hint = false} : vector<256x512xf32>, vector<512x16xf32>, vector<256x16xf32> -> vector<256x16xf32>
    %dot_general3A_180 = arith.constant dense<0.000000e+00> : vector<256x16xf32>
    %dot_general3A_181 = tpu.matmul %slice3A_170, %get3A_10, %dot_general3A_180 {dimension_numbers = #tpu.dot_dimension_numbers<[1], [0], [0], [1], [0, 0, 1, 1], [], []>, transpose_lhs_hint = false} : vector<256x256xf32>, vector<256x16xf32>, vector<256x16xf32> -> vector<256x16xf32>
    %slice3A_182 = vector.extract_strided_slice %concatenate3A_88 {offsets = [0, 2048], sizes = [256, 256], strides = [1, 1]} : vector<256x5376xf32> to vector<256x256xf32>
    %dot_general3A_183 = arith.constant dense<0.000000e+00> : vector<256x512xf32>
    %dot_general3A_184 = tpu.matmul %slice3A_182, %get3A_4, %dot_general3A_183 {dimension_numbers = #tpu.dot_dimension_numbers<[1], [0], [0], [1], [0, 0, 1, 1], [], []>, transpose_lhs_hint = false} : vector<256x256xf32>, vector<256x512xf32>, vector<256x512xf32> -> vector<256x512xf32>
    %add3A_185 = vector.broadcast %get3A_13 : vector<1x512xf32> to vector<256x512xf32>
    %add3A_186 = arith.addf %dot_general3A_184, %add3A_185 : vector<256x512xf32>
    %max3A_187 = arith.constant 0.000000e+00 : f32
    %max3A_188 = vector.broadcast %max3A_187 : f32 to vector<256x512xf32>
    %max3A_189 = arith.maximumf %add3A_186, %max3A_188 : vector<256x512xf32>
    %dot_general3A_190 = arith.constant dense<0.000000e+00> : vector<256x16xf32>
    %dot_general3A_191 = tpu.matmul %max3A_189, %get3A_7, %dot_general3A_190 {dimension_numbers = #tpu.dot_dimension_numbers<[1], [0], [0], [1], [0, 0, 1, 1], [], []>, transpose_lhs_hint = false} : vector<256x512xf32>, vector<512x16xf32>, vector<256x16xf32> -> vector<256x16xf32>
    %dot_general3A_192 = arith.constant dense<0.000000e+00> : vector<256x16xf32>
    %dot_general3A_193 = tpu.matmul %slice3A_182, %get3A_10, %dot_general3A_192 {dimension_numbers = #tpu.dot_dimension_numbers<[1], [0], [0], [1], [0, 0, 1, 1], [], []>, transpose_lhs_hint = false} : vector<256x256xf32>, vector<256x16xf32>, vector<256x16xf32> -> vector<256x16xf32>
    %slice3A_194 = vector.extract_strided_slice %concatenate3A_88 {offsets = [0, 2304], sizes = [256, 256], strides = [1, 1]} : vector<256x5376xf32> to vector<256x256xf32>
    %dot_general3A_195 = arith.constant dense<0.000000e+00> : vector<256x512xf32>
    %dot_general3A_196 = tpu.matmul %slice3A_194, %get3A_4, %dot_general3A_195 {dimension_numbers = #tpu.dot_dimension_numbers<[1], [0], [0], [1], [0, 0, 1, 1], [], []>, transpose_lhs_hint = false} : vector<256x256xf32>, vector<256x512xf32>, vector<256x512xf32> -> vector<256x512xf32>
    %add3A_197 = vector.broadcast %get3A_13 : vector<1x512xf32> to vector<256x512xf32>
    %add3A_198 = arith.addf %dot_general3A_196, %add3A_197 : vector<256x512xf32>
    %max3A_199 = arith.constant 0.000000e+00 : f32
    %max3A_200 = vector.broadcast %max3A_199 : f32 to vector<256x512xf32>
    %max3A_201 = arith.maximumf %add3A_198, %max3A_200 : vector<256x512xf32>
    %dot_general3A_202 = arith.constant dense<0.000000e+00> : vector<256x16xf32>
    %dot_general3A_203 = tpu.matmul %max3A_201, %get3A_7, %dot_general3A_202 {dimension_numbers = #tpu.dot_dimension_numbers<[1], [0], [0], [1], [0, 0, 1, 1], [], []>, transpose_lhs_hint = false} : vector<256x512xf32>, vector<512x16xf32>, vector<256x16xf32> -> vector<256x16xf32>
    %dot_general3A_204 = arith.constant dense<0.000000e+00> : vector<256x16xf32>
    %dot_general3A_205 = tpu.matmul %slice3A_194, %get3A_10, %dot_general3A_204 {dimension_numbers = #tpu.dot_dimension_numbers<[1], [0], [0], [1], [0, 0, 1, 1], [], []>, transpose_lhs_hint = false} : vector<256x256xf32>, vector<256x16xf32>, vector<256x16xf32> -> vector<256x16xf32>
    %slice3A_206 = vector.extract_strided_slice %concatenate3A_88 {offsets = [0, 2560], sizes = [256, 256], strides = [1, 1]} : vector<256x5376xf32> to vector<256x256xf32>
    %dot_general3A_207 = arith.constant dense<0.000000e+00> : vector<256x512xf32>
    %dot_general3A_208 = tpu.matmul %slice3A_206, %get3A_4, %dot_general3A_207 {dimension_numbers = #tpu.dot_dimension_numbers<[1], [0], [0], [1], [0, 0, 1, 1], [], []>, transpose_lhs_hint = false} : vector<256x256xf32>, vector<256x512xf32>, vector<256x512xf32> -> vector<256x512xf32>
    %add3A_209 = vector.broadcast %get3A_13 : vector<1x512xf32> to vector<256x512xf32>
    %add3A_210 = arith.addf %dot_general3A_208, %add3A_209 : vector<256x512xf32>
    %max3A_211 = arith.constant 0.000000e+00 : f32
    %max3A_212 = vector.broadcast %max3A_211 : f32 to vector<256x512xf32>
    %max3A_213 = arith.maximumf %add3A_210, %max3A_212 : vector<256x512xf32>
    %dot_general3A_214 = arith.constant dense<0.000000e+00> : vector<256x16xf32>
    %dot_general3A_215 = tpu.matmul %max3A_213, %get3A_7, %dot_general3A_214 {dimension_numbers = #tpu.dot_dimension_numbers<[1], [0], [0], [1], [0, 0, 1, 1], [], []>, transpose_lhs_hint = false} : vector<256x512xf32>, vector<512x16xf32>, vector<256x16xf32> -> vector<256x16xf32>
    %dot_general3A_216 = arith.constant dense<0.000000e+00> : vector<256x16xf32>
    %dot_general3A_217 = tpu.matmul %slice3A_206, %get3A_10, %dot_general3A_216 {dimension_numbers = #tpu.dot_dimension_numbers<[1], [0], [0], [1], [0, 0, 1, 1], [], []>, transpose_lhs_hint = false} : vector<256x256xf32>, vector<256x16xf32>, vector<256x16xf32> -> vector<256x16xf32>
    %slice3A_218 = vector.extract_strided_slice %concatenate3A_88 {offsets = [0, 2816], sizes = [256, 256], strides = [1, 1]} : vector<256x5376xf32> to vector<256x256xf32>
    %dot_general3A_219 = arith.constant dense<0.000000e+00> : vector<256x512xf32>
    %dot_general3A_220 = tpu.matmul %slice3A_218, %get3A_4, %dot_general3A_219 {dimension_numbers = #tpu.dot_dimension_numbers<[1], [0], [0], [1], [0, 0, 1, 1], [], []>, transpose_lhs_hint = false} : vector<256x256xf32>, vector<256x512xf32>, vector<256x512xf32> -> vector<256x512xf32>
    %add3A_221 = vector.broadcast %get3A_13 : vector<1x512xf32> to vector<256x512xf32>
    %add3A_222 = arith.addf %dot_general3A_220, %add3A_221 : vector<256x512xf32>
    %max3A_223 = arith.constant 0.000000e+00 : f32
    %max3A_224 = vector.broadcast %max3A_223 : f32 to vector<256x512xf32>
    %max3A_225 = arith.maximumf %add3A_222, %max3A_224 : vector<256x512xf32>
    %dot_general3A_226 = arith.constant dense<0.000000e+00> : vector<256x16xf32>
    %dot_general3A_227 = tpu.matmul %max3A_225, %get3A_7, %dot_general3A_226 {dimension_numbers = #tpu.dot_dimension_numbers<[1], [0], [0], [1], [0, 0, 1, 1], [], []>, transpose_lhs_hint = false} : vector<256x512xf32>, vector<512x16xf32>, vector<256x16xf32> -> vector<256x16xf32>
    %dot_general3A_228 = arith.constant dense<0.000000e+00> : vector<256x16xf32>
    %dot_general3A_229 = tpu.matmul %slice3A_218, %get3A_10, %dot_general3A_228 {dimension_numbers = #tpu.dot_dimension_numbers<[1], [0], [0], [1], [0, 0, 1, 1], [], []>, transpose_lhs_hint = false} : vector<256x256xf32>, vector<256x16xf32>, vector<256x16xf32> -> vector<256x16xf32>
    %slice3A_230 = vector.extract_strided_slice %concatenate3A_88 {offsets = [0, 3072], sizes = [256, 256], strides = [1, 1]} : vector<256x5376xf32> to vector<256x256xf32>
    %dot_general3A_231 = arith.constant dense<0.000000e+00> : vector<256x512xf32>
    %dot_general3A_232 = tpu.matmul %slice3A_230, %get3A_4, %dot_general3A_231 {dimension_numbers = #tpu.dot_dimension_numbers<[1], [0], [0], [1], [0, 0, 1, 1], [], []>, transpose_lhs_hint = false} : vector<256x256xf32>, vector<256x512xf32>, vector<256x512xf32> -> vector<256x512xf32>
    %add3A_233 = vector.broadcast %get3A_13 : vector<1x512xf32> to vector<256x512xf32>
    %add3A_234 = arith.addf %dot_general3A_232, %add3A_233 : vector<256x512xf32>
    %max3A_235 = arith.constant 0.000000e+00 : f32
    %max3A_236 = vector.broadcast %max3A_235 : f32 to vector<256x512xf32>
    %max3A_237 = arith.maximumf %add3A_234, %max3A_236 : vector<256x512xf32>
    %dot_general3A_238 = arith.constant dense<0.000000e+00> : vector<256x16xf32>
    %dot_general3A_239 = tpu.matmul %max3A_237, %get3A_7, %dot_general3A_238 {dimension_numbers = #tpu.dot_dimension_numbers<[1], [0], [0], [1], [0, 0, 1, 1], [], []>, transpose_lhs_hint = false} : vector<256x512xf32>, vector<512x16xf32>, vector<256x16xf32> -> vector<256x16xf32>
    %dot_general3A_240 = arith.constant dense<0.000000e+00> : vector<256x16xf32>
    %dot_general3A_241 = tpu.matmul %slice3A_230, %get3A_10, %dot_general3A_240 {dimension_numbers = #tpu.dot_dimension_numbers<[1], [0], [0], [1], [0, 0, 1, 1], [], []>, transpose_lhs_hint = false} : vector<256x256xf32>, vector<256x16xf32>, vector<256x16xf32> -> vector<256x16xf32>
    %slice3A_242 = vector.extract_strided_slice %concatenate3A_88 {offsets = [0, 3328], sizes = [256, 256], strides = [1, 1]} : vector<256x5376xf32> to vector<256x256xf32>
    %dot_general3A_243 = arith.constant dense<0.000000e+00> : vector<256x512xf32>
    %dot_general3A_244 = tpu.matmul %slice3A_242, %get3A_4, %dot_general3A_243 {dimension_numbers = #tpu.dot_dimension_numbers<[1], [0], [0], [1], [0, 0, 1, 1], [], []>, transpose_lhs_hint = false} : vector<256x256xf32>, vector<256x512xf32>, vector<256x512xf32> -> vector<256x512xf32>
    %add3A_245 = vector.broadcast %get3A_13 : vector<1x512xf32> to vector<256x512xf32>
    %add3A_246 = arith.addf %dot_general3A_244, %add3A_245 : vector<256x512xf32>
    %max3A_247 = arith.constant 0.000000e+00 : f32
    %max3A_248 = vector.broadcast %max3A_247 : f32 to vector<256x512xf32>
    %max3A_249 = arith.maximumf %add3A_246, %max3A_248 : vector<256x512xf32>
    %dot_general3A_250 = arith.constant dense<0.000000e+00> : vector<256x16xf32>
    %dot_general3A_251 = tpu.matmul %max3A_249, %get3A_7, %dot_general3A_250 {dimension_numbers = #tpu.dot_dimension_numbers<[1], [0], [0], [1], [0, 0, 1, 1], [], []>, transpose_lhs_hint = false} : vector<256x512xf32>, vector<512x16xf32>, vector<256x16xf32> -> vector<256x16xf32>
    %dot_general3A_252 = arith.constant dense<0.000000e+00> : vector<256x16xf32>
    %dot_general3A_253 = tpu.matmul %slice3A_242, %get3A_10, %dot_general3A_252 {dimension_numbers = #tpu.dot_dimension_numbers<[1], [0], [0], [1], [0, 0, 1, 1], [], []>, transpose_lhs_hint = false} : vector<256x256xf32>, vector<256x16xf32>, vector<256x16xf32> -> vector<256x16xf32>
    %slice3A_254 = vector.extract_strided_slice %concatenate3A_88 {offsets = [0, 3584], sizes = [256, 256], strides = [1, 1]} : vector<256x5376xf32> to vector<256x256xf32>
    %dot_general3A_255 = arith.constant dense<0.000000e+00> : vector<256x512xf32>
    %dot_general3A_256 = tpu.matmul %slice3A_254, %get3A_4, %dot_general3A_255 {dimension_numbers = #tpu.dot_dimension_numbers<[1], [0], [0], [1], [0, 0, 1, 1], [], []>, transpose_lhs_hint = false} : vector<256x256xf32>, vector<256x512xf32>, vector<256x512xf32> -> vector<256x512xf32>
    %add3A_257 = vector.broadcast %get3A_13 : vector<1x512xf32> to vector<256x512xf32>
    %add3A_258 = arith.addf %dot_general3A_256, %add3A_257 : vector<256x512xf32>
    %max3A_259 = arith.constant 0.000000e+00 : f32
    %max3A_260 = vector.broadcast %max3A_259 : f32 to vector<256x512xf32>
    %max3A_261 = arith.maximumf %add3A_258, %max3A_260 : vector<256x512xf32>
    %dot_general3A_262 = arith.constant dense<0.000000e+00> : vector<256x16xf32>
    %dot_general3A_263 = tpu.matmul %max3A_261, %get3A_7, %dot_general3A_262 {dimension_numbers = #tpu.dot_dimension_numbers<[1], [0], [0], [1], [0, 0, 1, 1], [], []>, transpose_lhs_hint = false} : vector<256x512xf32>, vector<512x16xf32>, vector<256x16xf32> -> vector<256x16xf32>
    %dot_general3A_264 = arith.constant dense<0.000000e+00> : vector<256x16xf32>
    %dot_general3A_265 = tpu.matmul %slice3A_254, %get3A_10, %dot_general3A_264 {dimension_numbers = #tpu.dot_dimension_numbers<[1], [0], [0], [1], [0, 0, 1, 1], [], []>, transpose_lhs_hint = false} : vector<256x256xf32>, vector<256x16xf32>, vector<256x16xf32> -> vector<256x16xf32>
    %slice3A_266 = vector.extract_strided_slice %concatenate3A_88 {offsets = [0, 3840], sizes = [256, 256], strides = [1, 1]} : vector<256x5376xf32> to vector<256x256xf32>
    %dot_general3A_267 = arith.constant dense<0.000000e+00> : vector<256x512xf32>
    %dot_general3A_268 = tpu.matmul %slice3A_266, %get3A_4, %dot_general3A_267 {dimension_numbers = #tpu.dot_dimension_numbers<[1], [0], [0], [1], [0, 0, 1, 1], [], []>, transpose_lhs_hint = false} : vector<256x256xf32>, vector<256x512xf32>, vector<256x512xf32> -> vector<256x512xf32>
    %add3A_269 = vector.broadcast %get3A_13 : vector<1x512xf32> to vector<256x512xf32>
    %add3A_270 = arith.addf %dot_general3A_268, %add3A_269 : vector<256x512xf32>
    %max3A_271 = arith.constant 0.000000e+00 : f32
    %max3A_272 = vector.broadcast %max3A_271 : f32 to vector<256x512xf32>
    %max3A_273 = arith.maximumf %add3A_270, %max3A_272 : vector<256x512xf32>
    %dot_general3A_274 = arith.constant dense<0.000000e+00> : vector<256x16xf32>
    %dot_general3A_275 = tpu.matmul %max3A_273, %get3A_7, %dot_general3A_274 {dimension_numbers = #tpu.dot_dimension_numbers<[1], [0], [0], [1], [0, 0, 1, 1], [], []>, transpose_lhs_hint = false} : vector<256x512xf32>, vector<512x16xf32>, vector<256x16xf32> -> vector<256x16xf32>
    %dot_general3A_276 = arith.constant dense<0.000000e+00> : vector<256x16xf32>
    %dot_general3A_277 = tpu.matmul %slice3A_266, %get3A_10, %dot_general3A_276 {dimension_numbers = #tpu.dot_dimension_numbers<[1], [0], [0], [1], [0, 0, 1, 1], [], []>, transpose_lhs_hint = false} : vector<256x256xf32>, vector<256x16xf32>, vector<256x16xf32> -> vector<256x16xf32>
    %slice3A_278 = vector.extract_strided_slice %concatenate3A_88 {offsets = [0, 4096], sizes = [256, 256], strides = [1, 1]} : vector<256x5376xf32> to vector<256x256xf32>
    %dot_general3A_279 = arith.constant dense<0.000000e+00> : vector<256x512xf32>
    %dot_general3A_280 = tpu.matmul %slice3A_278, %get3A_4, %dot_general3A_279 {dimension_numbers = #tpu.dot_dimension_numbers<[1], [0], [0], [1], [0, 0, 1, 1], [], []>, transpose_lhs_hint = false} : vector<256x256xf32>, vector<256x512xf32>, vector<256x512xf32> -> vector<256x512xf32>
    %add3A_281 = vector.broadcast %get3A_13 : vector<1x512xf32> to vector<256x512xf32>
    %add3A_282 = arith.addf %dot_general3A_280, %add3A_281 : vector<256x512xf32>
    %max3A_283 = arith.constant 0.000000e+00 : f32
    %max3A_284 = vector.broadcast %max3A_283 : f32 to vector<256x512xf32>
    %max3A_285 = arith.maximumf %add3A_282, %max3A_284 : vector<256x512xf32>
    %dot_general3A_286 = arith.constant dense<0.000000e+00> : vector<256x16xf32>
    %dot_general3A_287 = tpu.matmul %max3A_285, %get3A_7, %dot_general3A_286 {dimension_numbers = #tpu.dot_dimension_numbers<[1], [0], [0], [1], [0, 0, 1, 1], [], []>, transpose_lhs_hint = false} : vector<256x512xf32>, vector<512x16xf32>, vector<256x16xf32> -> vector<256x16xf32>
    %dot_general3A_288 = arith.constant dense<0.000000e+00> : vector<256x16xf32>
    %dot_general3A_289 = tpu.matmul %slice3A_278, %get3A_10, %dot_general3A_288 {dimension_numbers = #tpu.dot_dimension_numbers<[1], [0], [0], [1], [0, 0, 1, 1], [], []>, transpose_lhs_hint = false} : vector<256x256xf32>, vector<256x16xf32>, vector<256x16xf32> -> vector<256x16xf32>
    %slice3A_290 = vector.extract_strided_slice %concatenate3A_88 {offsets = [0, 4352], sizes = [256, 256], strides = [1, 1]} : vector<256x5376xf32> to vector<256x256xf32>
    %dot_general3A_291 = arith.constant dense<0.000000e+00> : vector<256x512xf32>
    %dot_general3A_292 = tpu.matmul %slice3A_290, %get3A_4, %dot_general3A_291 {dimension_numbers = #tpu.dot_dimension_numbers<[1], [0], [0], [1], [0, 0, 1, 1], [], []>, transpose_lhs_hint = false} : vector<256x256xf32>, vector<256x512xf32>, vector<256x512xf32> -> vector<256x512xf32>
    %add3A_293 = vector.broadcast %get3A_13 : vector<1x512xf32> to vector<256x512xf32>
    %add3A_294 = arith.addf %dot_general3A_292, %add3A_293 : vector<256x512xf32>
    %max3A_295 = arith.constant 0.000000e+00 : f32
    %max3A_296 = vector.broadcast %max3A_295 : f32 to vector<256x512xf32>
    %max3A_297 = arith.maximumf %add3A_294, %max3A_296 : vector<256x512xf32>
    %dot_general3A_298 = arith.constant dense<0.000000e+00> : vector<256x16xf32>
    %dot_general3A_299 = tpu.matmul %max3A_297, %get3A_7, %dot_general3A_298 {dimension_numbers = #tpu.dot_dimension_numbers<[1], [0], [0], [1], [0, 0, 1, 1], [], []>, transpose_lhs_hint = false} : vector<256x512xf32>, vector<512x16xf32>, vector<256x16xf32> -> vector<256x16xf32>
    %dot_general3A_300 = arith.constant dense<0.000000e+00> : vector<256x16xf32>
    %dot_general3A_301 = tpu.matmul %slice3A_290, %get3A_10, %dot_general3A_300 {dimension_numbers = #tpu.dot_dimension_numbers<[1], [0], [0], [1], [0, 0, 1, 1], [], []>, transpose_lhs_hint = false} : vector<256x256xf32>, vector<256x16xf32>, vector<256x16xf32> -> vector<256x16xf32>
    %slice3A_302 = vector.extract_strided_slice %concatenate3A_88 {offsets = [0, 4608], sizes = [256, 256], strides = [1, 1]} : vector<256x5376xf32> to vector<256x256xf32>
    %dot_general3A_303 = arith.constant dense<0.000000e+00> : vector<256x512xf32>
    %dot_general3A_304 = tpu.matmul %slice3A_302, %get3A_4, %dot_general3A_303 {dimension_numbers = #tpu.dot_dimension_numbers<[1], [0], [0], [1], [0, 0, 1, 1], [], []>, transpose_lhs_hint = false} : vector<256x256xf32>, vector<256x512xf32>, vector<256x512xf32> -> vector<256x512xf32>
    %add3A_305 = vector.broadcast %get3A_13 : vector<1x512xf32> to vector<256x512xf32>
    %add3A_306 = arith.addf %dot_general3A_304, %add3A_305 : vector<256x512xf32>
    %max3A_307 = arith.constant 0.000000e+00 : f32
    %max3A_308 = vector.broadcast %max3A_307 : f32 to vector<256x512xf32>
    %max3A_309 = arith.maximumf %add3A_306, %max3A_308 : vector<256x512xf32>
    %dot_general3A_310 = arith.constant dense<0.000000e+00> : vector<256x16xf32>
    %dot_general3A_311 = tpu.matmul %max3A_309, %get3A_7, %dot_general3A_310 {dimension_numbers = #tpu.dot_dimension_numbers<[1], [0], [0], [1], [0, 0, 1, 1], [], []>, transpose_lhs_hint = false} : vector<256x512xf32>, vector<512x16xf32>, vector<256x16xf32> -> vector<256x16xf32>
    %dot_general3A_312 = arith.constant dense<0.000000e+00> : vector<256x16xf32>
    %dot_general3A_313 = tpu.matmul %slice3A_302, %get3A_10, %dot_general3A_312 {dimension_numbers = #tpu.dot_dimension_numbers<[1], [0], [0], [1], [0, 0, 1, 1], [], []>, transpose_lhs_hint = false} : vector<256x256xf32>, vector<256x16xf32>, vector<256x16xf32> -> vector<256x16xf32>
    %slice3A_314 = vector.extract_strided_slice %concatenate3A_88 {offsets = [0, 4864], sizes = [256, 256], strides = [1, 1]} : vector<256x5376xf32> to vector<256x256xf32>
    %dot_general3A_315 = arith.constant dense<0.000000e+00> : vector<256x512xf32>
    %dot_general3A_316 = tpu.matmul %slice3A_314, %get3A_4, %dot_general3A_315 {dimension_numbers = #tpu.dot_dimension_numbers<[1], [0], [0], [1], [0, 0, 1, 1], [], []>, transpose_lhs_hint = false} : vector<256x256xf32>, vector<256x512xf32>, vector<256x512xf32> -> vector<256x512xf32>
    %add3A_317 = vector.broadcast %get3A_13 : vector<1x512xf32> to vector<256x512xf32>
    %add3A_318 = arith.addf %dot_general3A_316, %add3A_317 : vector<256x512xf32>
    %max3A_319 = arith.constant 0.000000e+00 : f32
    %max3A_320 = vector.broadcast %max3A_319 : f32 to vector<256x512xf32>
    %max3A_321 = arith.maximumf %add3A_318, %max3A_320 : vector<256x512xf32>
    %dot_general3A_322 = arith.constant dense<0.000000e+00> : vector<256x16xf32>
    %dot_general3A_323 = tpu.matmul %max3A_321, %get3A_7, %dot_general3A_322 {dimension_numbers = #tpu.dot_dimension_numbers<[1], [0], [0], [1], [0, 0, 1, 1], [], []>, transpose_lhs_hint = false} : vector<256x512xf32>, vector<512x16xf32>, vector<256x16xf32> -> vector<256x16xf32>
    %dot_general3A_324 = arith.constant dense<0.000000e+00> : vector<256x16xf32>
    %dot_general3A_325 = tpu.matmul %slice3A_314, %get3A_10, %dot_general3A_324 {dimension_numbers = #tpu.dot_dimension_numbers<[1], [0], [0], [1], [0, 0, 1, 1], [], []>, transpose_lhs_hint = false} : vector<256x256xf32>, vector<256x16xf32>, vector<256x16xf32> -> vector<256x16xf32>
    %slice3A_326 = vector.extract_strided_slice %concatenate3A_88 {offsets = [0, 5120], sizes = [256, 256], strides = [1, 1]} : vector<256x5376xf32> to vector<256x256xf32>
    %dot_general3A_327 = arith.constant dense<0.000000e+00> : vector<256x512xf32>
    %dot_general3A_328 = tpu.matmul %slice3A_326, %get3A_4, %dot_general3A_327 {dimension_numbers = #tpu.dot_dimension_numbers<[1], [0], [0], [1], [0, 0, 1, 1], [], []>, transpose_lhs_hint = false} : vector<256x256xf32>, vector<256x512xf32>, vector<256x512xf32> -> vector<256x512xf32>
    %add3A_329 = vector.broadcast %get3A_13 : vector<1x512xf32> to vector<256x512xf32>
    %add3A_330 = arith.addf %dot_general3A_328, %add3A_329 : vector<256x512xf32>
    %max3A_331 = arith.constant 0.000000e+00 : f32
    %max3A_332 = vector.broadcast %max3A_331 : f32 to vector<256x512xf32>
    %max3A_333 = arith.maximumf %add3A_330, %max3A_332 : vector<256x512xf32>
    %dot_general3A_334 = arith.constant dense<0.000000e+00> : vector<256x16xf32>
    %dot_general3A_335 = tpu.matmul %max3A_333, %get3A_7, %dot_general3A_334 {dimension_numbers = #tpu.dot_dimension_numbers<[1], [0], [0], [1], [0, 0, 1, 1], [], []>, transpose_lhs_hint = false} : vector<256x512xf32>, vector<512x16xf32>, vector<256x16xf32> -> vector<256x16xf32>
    %dot_general3A_336 = arith.constant dense<0.000000e+00> : vector<256x16xf32>
    %dot_general3A_337 = tpu.matmul %slice3A_326, %get3A_10, %dot_general3A_336 {dimension_numbers = #tpu.dot_dimension_numbers<[1], [0], [0], [1], [0, 0, 1, 1], [], []>, transpose_lhs_hint = false} : vector<256x256xf32>, vector<256x16xf32>, vector<256x16xf32> -> vector<256x16xf32>
    %concatenate3A_338 = tpu.concatenate %dot_general3A_95, %dot_general3A_107, %dot_general3A_119, %dot_general3A_131, %dot_general3A_143, %dot_general3A_155, %dot_general3A_167, %dot_general3A_179, %dot_general3A_191, %dot_general3A_203, %dot_general3A_215, %dot_general3A_227, %dot_general3A_239, %dot_general3A_251, %dot_general3A_263, %dot_general3A_275, %dot_general3A_287, %dot_general3A_299, %dot_general3A_311, %dot_general3A_323, %dot_general3A_335 in 1 : vector<256x16xf32>, vector<256x16xf32>, vector<256x16xf32>, vector<256x16xf32>, vector<256x16xf32>, vector<256x16xf32>, vector<256x16xf32>, vector<256x16xf32>, vector<256x16xf32>, vector<256x16xf32>, vector<256x16xf32>, vector<256x16xf32>, vector<256x16xf32>, vector<256x16xf32>, vector<256x16xf32>, vector<256x16xf32>, vector<256x16xf32>, vector<256x16xf32>, vector<256x16xf32>, vector<256x16xf32>, vector<256x16xf32> -> vector<256x336xf32>
    %concatenate3A_339 = tpu.concatenate %dot_general3A_97, %dot_general3A_109, %dot_general3A_121, %dot_general3A_133, %dot_general3A_145, %dot_general3A_157, %dot_general3A_169, %dot_general3A_181, %dot_general3A_193, %dot_general3A_205, %dot_general3A_217, %dot_general3A_229, %dot_general3A_241, %dot_general3A_253, %dot_general3A_265, %dot_general3A_277, %dot_general3A_289, %dot_general3A_301, %dot_general3A_313, %dot_general3A_325, %dot_general3A_337 in 1 : vector<256x16xf32>, vector<256x16xf32>, vector<256x16xf32>, vector<256x16xf32>, vector<256x16xf32>, vector<256x16xf32>, vector<256x16xf32>, vector<256x16xf32>, vector<256x16xf32>, vector<256x16xf32>, vector<256x16xf32>, vector<256x16xf32>, vector<256x16xf32>, vector<256x16xf32>, vector<256x16xf32>, vector<256x16xf32>, vector<256x16xf32>, vector<256x16xf32>, vector<256x16xf32>, vector<256x16xf32>, vector<256x16xf32> -> vector<256x336xf32>
    %iota3A = tpu.iota {dimensions = array<i32: 1>} : vector<256x336xi32>
    %lt3A = arith.constant 325 : i32
    %lt3A_340 = vector.broadcast %lt3A : i32 to vector<256x336xi32>
    %lt3A_341 = arith.cmpi slt, %iota3A, %lt3A_340 : vector<256x336xi32>
    %jit3A = arith.constant -1.000000e+30 : f32
    %broadcast_in_dim3A_342 = vector.broadcast %jit3A : f32 to vector<256x336xf32>
    %select_n3A = arith.select %lt3A_341, %concatenate3A_338, %broadcast_in_dim3A_342 : vector<256x336xi1>, vector<256x336xf32>
    %reduce_max3A = arith.constant dense<0xFF800000> : vector<256xf32>
    %reduce_max3A_343 = vector.multi_reduction <maximumf>, %select_n3A, %reduce_max3A [1] : vector<256x336xf32> to vector<256xf32>
    %broadcast_in_dim3A_344 = vector.shape_cast %reduce_max3A_343 : vector<256xf32> to vector<256x1xf32>
    %sub3A = vector.broadcast %broadcast_in_dim3A_344 : vector<256x1xf32> to vector<256x336xf32>
    %sub3A_345 = arith.subf %select_n3A, %sub3A : vector<256x336xf32>
    %exp3A = math.exp %sub3A_345 : vector<256x336xf32>
    %jit3A_346 = arith.constant 0.000000e+00 : f32
    %broadcast_in_dim3A_347 = vector.broadcast %jit3A_346 : f32 to vector<256x336xf32>
    %select_n3A_348 = arith.select %lt3A_341, %exp3A, %broadcast_in_dim3A_347 : vector<256x336xi1>, vector<256x336xf32>
    %reduce_sum3A = arith.constant dense<0.000000e+00> : vector<256xf32>
    %reduce_sum3A_349 = vector.multi_reduction <add>, %select_n3A_348, %reduce_sum3A [1] : vector<256x336xf32> to vector<256xf32>
    %broadcast_in_dim3A_350 = vector.shape_cast %reduce_sum3A_349 : vector<256xf32> to vector<256x1xf32>
    %mul3A_351 = arith.mulf %select_n3A_348, %concatenate3A_339 : vector<256x336xf32>
    %reduce_sum3A_352 = arith.constant dense<0.000000e+00> : vector<256xf32>
    %reduce_sum3A_353 = vector.multi_reduction <add>, %mul3A_351, %reduce_sum3A_352 [1] : vector<256x336xf32> to vector<256xf32>
    %broadcast_in_dim3A_354 = vector.shape_cast %reduce_sum3A_353 : vector<256xf32> to vector<256x1xf32>
    %div3A = arith.divf %broadcast_in_dim3A_354, %broadcast_in_dim3A_350 : vector<256x1xf32>
    %get3A_355 = arith.constant 0 : index
    %get3A_356 = arith.constant 0 : index
    %get3A_357 = vector.load %arg2[%get3A_355, %get3A_356] : memref<256x26xf32, #tpu.memory_space<vmem>>, vector<256x26xf32>
    %reduce_sum3A_358 = arith.constant dense<0.000000e+00> : vector<256xf32>
    %reduce_sum3A_359 = vector.multi_reduction <add>, %get3A_357, %reduce_sum3A_358 [1] : vector<256x26xf32> to vector<256xf32>
    %broadcast_in_dim3A_360 = vector.shape_cast %reduce_sum3A_359 : vector<256xf32> to vector<256x1xf32>
    %add3A_361 = arith.addf %div3A, %broadcast_in_dim3A_360 : vector<256x1xf32>
    %logistic3A = arith.negf %add3A_361 : vector<256x1xf32>
    %logistic3A_362 = math.exp %logistic3A : vector<256x1xf32>
    %logistic3A_363 = arith.constant 1.000000e+00 : f32
    %logistic3A_364 = vector.broadcast %logistic3A_363 : f32 to vector<256x1xf32>
    %logistic3A_365 = arith.addf %logistic3A_364, %logistic3A_362 : vector<256x1xf32>
    %logistic3A_366 = arith.divf %logistic3A_364, %logistic3A_365 : vector<256x1xf32>
    %swap3A = arith.constant 0 : index
    %swap3A_367 = arith.constant 0 : index
    %swap3A_368 = vector.load %arg7[%swap3A, %swap3A_367] : memref<256x1xf32, #tpu.memory_space<vmem>>, vector<256x1xf32>
    tpu.vector_store %arg7[%swap3A, %swap3A_367], %logistic3A_366 {strides = array<i32>} : memref<256x1xf32, #tpu.memory_space<vmem>>, vector<256x1xf32>,
    return
  }
  func.func @transform_0(%arg0: i32) -> (i32, i32) {
    %c0_i32 = arith.constant 0 : i32
    %c0_i32_0 = arith.constant 0 : i32
    return %arg0, %c0_i32 : i32, i32
  }
  func.func @transform_1(%arg0: i32) -> (i32, i32) {
    %c0_i32 = arith.constant 0 : i32
    %c0_i32_0 = arith.constant 0 : i32
    return %arg0, %c0_i32 : i32, i32
  }
  func.func @transform_2(%arg0: i32) -> (i32, i32) {
    %c0_i32 = arith.constant 0 : i32
    %c0_i32_0 = arith.constant 0 : i32
    %c0_i32_1 = arith.constant 0 : i32
    return %c0_i32, %c0_i32_0 : i32, i32
  }
  func.func @transform_3(%arg0: i32) -> (i32, i32) {
    %c0_i32 = arith.constant 0 : i32
    %c0_i32_0 = arith.constant 0 : i32
    %c0_i32_1 = arith.constant 0 : i32
    return %c0_i32, %c0_i32_0 : i32, i32
  }
  func.func @transform_4(%arg0: i32) -> (i32, i32) {
    %c0_i32 = arith.constant 0 : i32
    %c0_i32_0 = arith.constant 0 : i32
    %c0_i32_1 = arith.constant 0 : i32
    return %c0_i32, %c0_i32_0 : i32, i32
  }
  func.func @transform_5(%arg0: i32) -> (i32, i32) {
    %c0_i32 = arith.constant 0 : i32
    %c0_i32_0 = arith.constant 0 : i32
    %c0_i32_1 = arith.constant 0 : i32
    return %c0_i32, %c0_i32_0 : i32, i32
  }
  func.func @transform_6(%arg0: i32) -> (i32, i32) {
    %c0_i32 = arith.constant 0 : i32
    %c0_i32_0 = arith.constant 0 : i32
    return %arg0, %c0_i32 : i32, i32
  }
}

</mosaic_0001>

<sc_bundles>
// kernel: gather_offload_async_start
scs
__scs_entry_jumppad:
0x0: {  	(pc) =	sbr.rel $0x88, $3  }
0x1: {  	(tag) =	ssettag $0x0;
	lr =	simm.s32 $0x1  }
0x2: {  	[smem:$0x3F9A] =	sst lr;
	_ =	strace $0xD0000000  }
0x3: {  	_ = 	snop  }
0x4: {  	_ = 	snop  }
0x5: {  	_ = 	snop  }
0x6: {  	_ = 	snop  }
0x7: {  	_ = 	snop  }
__scs_overlays_trampoline_lowered:
0x8: {  	[smem:$0x3FA9] =	sst s0  }
0x9: {  	[smem:$0x3FAA] =	sst s1  }
0xa: {  	[smem:$0x3FAB] =	sst s2  }
0xb: {  	[smem:$0x3FAC] =	sst s3  }
0xc: {  	[smem:$0x3FAD] =	sst s4  }
0xd: {  	[smem:$0x3FAE] =	sst s5  }
0xe: {  	[smem:$0x3FAF] =	sst s6  }
0xf: {  	[smem:$0x3FB0] =	sst s7  }
0x10: {  	[smem:$0x3FB1] =	sst s8  }
0x11: {  	[smem:$0x3FB2] =	sst s9;
	s0 =	simm.s32 @!p0 $0x0  }
0x12: {  	s1 =	sld [smem:$0x3F98];
	s0 =	simm.s32 @p0 $0x1  }
0x13: {  	[smem:$0x3FB3] =	sst s0;
	s0 =	simm.s32 @!p1 $0x0  }
0x14: {  	s2 =	sld [smem:$0x3F97];
	s0 =	simm.s32 @p1 $0x1  }
0x15: {  	[smem:$0x3FB4] =	sst s0;
	s0 =	simm.s32 @!p2 $0x0  }
0x16: {  	s3 =	sld [smem:$0x3FDB];
	s0 =	simm.s32 @p2 $0x1  }
0x17: {  	s4 =	simm.s32 $0x1BF5;
	[smem:$0x3FB6] =	sst s0  }
0x18: {  	s0 =	sld [smem:$0x3F99];
	_ =	swait.ge [sflag:s4], $0x0  }
0x19: {  	s7 =	sld [smem:$0x3F9A]  }
0x1a: {  	s8 =	sadd.s32 $0xFFFFE003, lr  }
0x1b: {  	s9 =	sadd.s32 $0xFFFFFEF7, lr;
	s5 =	simm.s32 $0xFFFFFFFF;
	p2 =	slt.u32 s8, $0xFFFFF086  }
0x1c: {  	p1 =	slt.u32 s9, $0xF7A;
	s5 =	simm.s32 @!p2 $0x0  }
0x1d: {  	s5 =	simm.s32 @p1 $0x1;
	p0 =	seq.s32 s7, s2  }
0x1e: {  	s7 =	smul.u32 @!p0 $0xF7A, s2;
	p2 =	seq.s32 @!p0 s5, $0x0  }
0x1f: {  	s9 =	smul.u32 $0xF7A, s1;
	s8 =	simm.s32 @!p0 $0x1BF5;
	p2 =	por !p2, p0  }
0x20: {  	[sflag:s8] =	ssyncset.s32 @!p0 $0xFFFFF086;
	s6 =	sadd.s32 @!p0 s3, s7;
	s7 =	simm.s32 @!p0 $0x108  }
0x21: {  	s3 =	sadd.s32 s3, s9;
	s6 =	sadd.s32 @!p0 $0x88, s6;
	s7 =	simm.s32 @p2 $0x1082  }
0x22: {  	[simem:s7], [sflag:s8] =	dma.local @!p0 [hbm:s6], $0xF7A  }
0x23: {  	s9 =	sor.u32 $0xD0000000, s2;
	s6 =	simm.s32 $0x108;
	_ =	swait.ge @!p0 [sflag:s8], $0x0  }
0x24: {  	s3 =	sadd.s32 $0x88, s3;
	s6 =	simm.s32 @!p1 $0x1082;
	[sflag:s4] =	ssyncset.s32 $0xFFFFF086  }
0x25: {  	[simem:s6], [sflag:s4] =	dma.local [hbm:s3], $0xF7A  }
0x26: {  	[smem:$0x3F9A] =	sst s1;
	(tag) =	ssettag s2;
	_ =	strace s9  }
0x27: {  	s1 =	sld [smem:$0x3FAA]  }
0x28: {  	s2 =	sld [smem:$0x3FAB]  }
0x29: {  	s4 =	sld [smem:$0x3FAD]  }
0x2a: {  	p0 =	seq.s32 s5, $0x0;
	s5 =	sld [smem:$0x3FAE]  }
0x2b: {  	s6 =	sld [smem:$0x3FAF]  }
0x2c: {  	s7 =	sld [smem:$0x3FB0]  }
0x2d: {  	s3 =	simm.s32 $0x108;
	s8 =	sld [smem:$0x3FB1]  }
0x2e: {  	s3 =	simm.s32 @!p0 $0x1082;
	s9 =	sld [smem:$0x3FB2]  }
0x2f: {  	lr =	sadd.s32 s0, s3;
	s0 =	sld [smem:$0x3FA9]  }
0x30: {  	s3 =	sld [smem:$0x3FAC]  }
0x31: {  	[smem:$0x3FB5] =	sst s10  }
0x32: {  	s10 =	sld [smem:$0x3FB3];
	_ =	sdelay $0x3  }
0x33: {  	p0 =	seq.s32 s10, $0x1;
	s10 =	sld [smem:$0x3FB5];
	_ =	sdelay $0x3  }
0x34: {  	[smem:$0x3FB5] =	sst s10  }
0x35: {  	s10 =	sld [smem:$0x3FB4];
	_ =	sdelay $0x3  }
0x36: {  	p1 =	seq.s32 s10, $0x1;
	s10 =	sld [smem:$0x3FB5];
	_ =	sdelay $0x3  }
0x37: {  	[smem:$0x3FB5] =	sst s10  }
0x38: {  	s10 =	sld [smem:$0x3FB6]  }
0x39: {  	_ = 	snop;
	(pc) =	sbr.ind lr, $3  }
0x3a: {  	_ = 	snop  }
0x3b: {  	_ = 	snop  }
0x3c: {  	p2 =	seq.s32 s10, $0x1;
	s10 =	sld [smem:$0x3FB5]  }
0x3d: {  	_ =	shalt  }
0x3e: {  	_ =	shalt  }
0x3f: {  	_ =	shalt  }
0x40: {  	_ =	shalt  }
0x41: {  	_ =	shalt  }
0x42: {  	_ =	shalt  }
0x43: {  	_ =	shalt  }
0x44: {  	_ =	shalt  }
0x45: {  	_ =	shalt  }
0x46: {  	_ =	shalt  }
0x47: {  	_ =	shalt  }
0x48: {  	_ =	shalt  }
0x49: {  	_ =	shalt  }
0x4a: {  	_ =	shalt  }
0x4b: {  	_ =	shalt  }
0x4c: {  	_ =	shalt  }
0x4d: {  	_ =	shalt  }
0x4e: {  	_ =	shalt  }
0x4f: {  	_ =	shalt  }
0x50: {  	_ =	shalt  }
0x51: {  	_ =	shalt  }
0x52: {  	_ =	shalt  }
0x53: {  	_ =	shalt  }
0x54: {  	_ =	shalt  }
0x55: {  	_ =	shalt  }
0x56: {  	_ =	shalt  }
0x57: {  	_ =	shalt  }
0x58: {  	_ =	shalt  }
0x59: {  	_ =	shalt  }
0x5a: {  	_ =	shalt  }
0x5b: {  	_ =	shalt  }
0x5c: {  	_ =	shalt  }
0x5d: {  	_ =	shalt  }
0x5e: {  	_ =	shalt  }
0x5f: {  	_ =	shalt  }
0x60: {  	_ =	shalt  }
0x61: {  	_ =	shalt  }
0x62: {  	_ =	shalt  }
0x63: {  	_ =	shalt  }
0x64: {  	_ =	shalt  }
0x65: {  	_ =	shalt  }
0x66: {  	_ =	shalt  }
0x67: {  	_ =	shalt  }
0x68: {  	_ =	shalt  }
0x69: {  	_ =	shalt  }
0x6a: {  	_ =	shalt  }
0x6b: {  	_ =	shalt  }
0x6c: {  	_ =	shalt  }
0x6d: {  	_ =	shalt  }
0x6e: {  	_ =	shalt  }
0x6f: {  	_ =	shalt  }
0x70: {  	_ =	shalt  }
0x71: {  	_ =	shalt  }
0x72: {  	_ =	shalt  }
0x73: {  	_ =	shalt  }
0x74: {  	_ =	shalt  }
0x75: {  	_ =	shalt  }
0x76: {  	_ =	shalt  }
0x77: {  	_ =	shalt  }
0x78: {  	_ =	shalt  }
0x79: {  	_ =	shalt  }
0x7a: {  	_ =	shalt  }
0x7b: {  	_ =	shalt  }
0x7c: {  	_ =	shalt  }
0x7d: {  	_ =	shalt  }
0x7e: {  	_ =	shalt  }
0x7f: {  	_ =	shalt  }
0x80: {  	_ =	shalt  }
0x81: {  	_ =	shalt  }
0x82: {  	_ =	shalt  }
0x83: {  	_ =	shalt  }
0x84: {  	_ =	shalt  }
0x85: {  	_ =	shalt  }
0x86: {  	_ =	shalt  }
0x87: {  	_ =	shalt  }
.Lfunc_end0:
.L_simem_size_0:
called_computation_lowered:
.L_overlay_start_0:
0x88: {  	s2 =	sld [smem:$0x3FD9]  }
0x89: {  	s3 =	sld [smem:$0x3FFE];
	_ =	sdelay $0x1  }
0x8a: {  	s1 =	srdreg.scid  }
0x8b: {  	s0 =	sand.u32 $0x1, s1  }
0x8c: {  	s16 =	sshll.u32 s0, $0xA;
	s2 =	sadd.s32 s3, s2  }
0x8d: {  	s2 =	sadd.s32 s2, s16  }
0x8e: {  	[smem:$0x3FC1] =	sst s2  }
0x8f: {  	_ = 	snop  }
0x90: {  	(tm) =	ssettm $0x1  }
0x91: {  	s17 =	sld [smem:$0x3FFB];
	_ =	sdelay $0x3  }
0x92: {  	_ =	strace s17  }
0x93: {  	s2 =	sld [smem:$0x3FFC];
	_ =	sdelay $0x3  }
0x94: {  	_ =	strace s2  }
0x95: {  	s2 =	sld [smem:$0x3FFD];
	_ =	sdelay $0x3  }
0x96: {  	_ =	strace s2  }
0x97: {  	_ =	strace $0x8FFFFFFF  }
0x98: {  	s18 =	sld [smem:$0x3FDB];
	_ =	sdelay $0x1  }
0x99: {  	s19 =	simm.s32 $_scs_section_size  }
0x9a: {  	s4 =	simm.s32 $_size__tile_overlayer_lowered;
	s5 =	simm.s32 $_tile_overlayer_lowered  }
0x9b: {  	s22 =	simm.s32 $0x1BFF;
	s21 =	sshll.u32 s5, $0x1;
	s2 =	sadd.s32 s19, s18  }
0x9c: {  	s6 =	simm.s32 $0x0;
	s20 =	sshll.u32 s4, $0x1;
	s4 =	sadd.s32 s21, s2  }
0x9d: {  	[timem:s6], [sflag:s22] =	dma.local [hbm:s4], s20  }
0x9e: {  	_ =	swait.ge [sflag:s22], s20  }
0x9f: {  	s3 =	ssub.s32 $0x0, s20;
	[sflag:s22] =	ssyncset.done $0x0  }
0xa0: {  	[sflag:s22] =	ssyncadd.s32 s3;
	_ =	sdelay $0x1  }
0xa1: {  	s23 =	simm.s32 $0x1B8B  }
0xa2: {  	_ =	swait.ge [sflag:s23], $0x1  }
0xa3: {  	[sflag:s23] =	ssyncset.done $0x0  }
0xa4: {  	s25 =	simm.s32 $0x1B8E;
	s24 =	sld [smem:$0x3FFE];
	[sflag:s23] =	ssyncadd.s32 $0xFFFFFFFF  }
0xa5: {  	s26 =	simm.s32 $execute0_lowered;
	[smem:$0x3FD2] =	sst s25  }
0xa6: {  	s4 =	sshll.u32 s26, $0x1;
	_ =	strace $0x80000046;
	[dreg:$0x1] =	wrdreg $0xFFFFFFFF  }
0xa7: {  	s28 =	simm.s32 $_size_execute0_lowered;
	s2 =	sadd.s32 s2, s4;
	[dreg:$0x0] =	wrdreg $0x0  }
0xa8: {  	s4 =	sshll.u32 s28, $0x1;
	[dreg:$0x2] =	wrdreg s2  }
0xa9: {  	[dreg:$0x3] =	wrdreg s4  }
0xaa: {  	[dreg:$0x4] =	wrdreg $0xC0  }
0xab: {  	_ =	task [dreg:s6], $0x5FFFF  }
0xac: {  	[dreg:$0x1] =	wrdreg $0xFFFFFFFF  }
0xad: {  	[dreg:$0x0] =	wrdreg $0x60  }
0xae: {  	[dreg:$0x2] =	wrdreg s24  }
0xaf: {  	[dreg:$0x3] =	wrdreg $0x9  }
0xb0: {  	_ =	task.clear_ibuf [dreg:s6], $0x4FFFF;
	_ =	strace $0x90000046  }
0xb1: {  	s29 =	simm.s32 $0x9;
	_ =	strace $0x80000048  }
0xb2: {  	_ =	swait.ge [sflag:s29], $0x1  }
0xb3: {  	[sflag:s29] =	ssyncadd.s32 $0xFFFFFFFF  }
0xb4: {  	_ =	strace $0x90000048  }
0xb5: {  	_ =	sfence  }
0xb6: {  	s30 =	sld [smem:$0x0];
	_ =	sdelay $0x2  }
0xb7: {  	s31 =	sshll.u32 s1, $0xD;
	s1 =	sshrl.u32 s1, $0x2  }
0xb8: {  	s3 =	sand.u32 $0x4000, s31;
	s1 =	sadd.s32 s1, s30  }
0xb9: {  	s0 =	sor.u32 s3, s0;
	s1 =	sshll.u32 s1, $0x11  }
0xba: {  	s0 =	sor.u32 s1, s0  }
0xbb: {  	s0 =	sadd.s32 $0x8F2B, s0  }
0xbc: {  	[sflag:s0] =	ssyncadd.remote.s32 $0x1  }
0xbd: {  	_ =	sfence.sel $0xFFFF  }
0xbe: {  	[dreg:$0x0] =	wrdreg $0xFFFFFFFF;
	(pc) =	sbr.abs _section_cstart, $3  }
0xbf: {  	[dreg:$0x1] =	wrdreg $0xFFFFFFFF  }
0xc0: {  	_ =	task.clear_ibuf [dreg:s6], $0x2FFFF;
	_ =	strace $0x9FFFFFFF  }
0xc1: {  	(tm) =	ssettm $0x7FFFFFFF  }
tec
execute0_lowered:
.L_overlay_start_1:
0x0: {  	(tag) =	ssettag $0x1  }
0x1: {  	s0 =	srdreg.scid;
	s5 =	rddreg [dreg:$0x0]  }
0x2: {  	s1 =	stileid.u32;
	s6 =	simm.s32 $0x1;
	s9 =	simm.s32 $0x1  }
0x3: {  	s10 =	simm.s32 $0x3;
	s13 =	simm.s32 $0x0;
	s2 =	sshll.u32 s0, $0xB  }
0x4: {  	s12 =	simm.s32 $0x0;
	s3 =	sshll.u32 s1, $0xC;
	s2 =	sand.u32 $0x800, s2  }
0x5: {  	s0 =	rddreg [dreg:$0x1];
	_ =	strace $0x80000047;
	s2 =	sor.u32 s3, s2  }
0x6: {  	s4 =	sadd.s32 $0x14400, s5;
	[sflag:s6] =	ssyncpa.u1 $0x0;
	s8 =	ssub.s32 $0x1A000, s2  }
.Ltmp0:
0x7: {  	s3 =	sadd.s32 $0x17800, s5;
	s7 =	sand.u32 $0xF800, s8;
	(pc) =	sbr.rel .LBB2_1-.Ltmp0, $4  }
0x8: {  	s5 =	sadd.s32 $0x66E00, s5;
	s11 =	smov.u32 s2;
	p0 =	sne.s32 s7, $0x0  }
0x9: {  	s8 =	sshrl.u32 s8, $0x10;
	s7 =	simm.s32 $0x2;
	s9 =	simm.s32 @!p0 $0x0  }
0xa: {  	[sflag:s7] =	ssyncpa.u1 $0x0;
	p0 =	por $0x0, $0x0;
	s8 =	sadd.s32 s9, s8  }
0xb: {  	vm0 =	vmmov $0xffff;
	[sflag:s10] =	ssyncpa.u1 $0x0;
	s10 =	simm.s32 $0x0;
	s9 =	sadd.s32 $0x1, s8  }
.LBB2_4:
0xc: {  	v2 =	vnsel vm1, $0x0, v2  }
0xd: {  	vm1 =	vgt.s32 v0, $0x0;
	v2 =	vmin.u32 v2, $0x27AC59  }
0xe: {  	v0 =	vnsel vm1, $0x0, v0  }
0xf: {  	v0 =	vmin.u32 v0, $0x27AC59  }
0x10: {  	[tilespmem:s15], [sflag:$0x1] =	stream.indirect_vreg.gather [hbm4b:s3+s10], $0x1, v1, vm0, $0x4038;
	[tilespmem:$0x2000] =	vst v63  }
0x11: {  	(ifvalue) =	ssetifvalue $0x7FFFFFFF  }
0x12: {  	[tilespmem:s16], [sflag:$0x1] =	stream.indirect_vreg.gather [hbm4b:s3+s10], $0x1, v2, vm0, $0x4038;
	[tilespmem:$0x2000] =	vst v63  }
0x13: {  	s29 =	sadd.s32 $0x10, s16;
	(ifvalue) =	ssetifvalue $0x7FFFFFFF  }
0x14: {  	[tilespmem:s29], [sflag:$0x1] =	stream.indirect_vreg.gather [hbm4b:s3+s10], $0x1, v0, vm0, $0x4038;
	[tilespmem:$0x2000] =	vst v63  }
0x15: {  	_ =	swait.ge [sflag:s6], $0x800  }
0x16: {  	s30 =	sshrl.u32 s13, $0x3;
	[sflag:s6] =	ssyncset.done $0x0  }
0x17: {  	s31 =	sand.u32 $0x7, s13;
	s15 =	sadd.s32 s5, s30;
	[sflag:s6] =	ssyncadd.s32 $0xFFFFF800  }
0x18: {  	[hbm4b:s15+s31] =	stream.linear.scatter [tilespmem:s14], [sflag:$0x3], $0x800, $0x38;
	[tilespmem:$0x2000] =	vst v63  }
.LBB2_5:
0x19: {  	s15 =	sadd.s32 $0x10000, s11  }
0x1a: {  	p2 =	sgt.s32 s15, $0x19FFF  }
0x1b: {  	s15 =	smov.u32 @p2 s2;
	p2 =	sne.s32 s12, s9  }
.Ltmp1:
0x1c: {  	p1 =	slt.u32 s12, $0x2;
	(pc) =	sbr.rel @!p2 .LBB2_6-.Ltmp1, $4  }
0x1d: {  	s14 =	simm.s32 @!p1 $0x3  }
0x1e: {  	s16 =	sadd.s32 $0x1, s12;
	_ =	swait.ge @!p1 [sflag:s14], $0x800  }
0x1f: {  	s13 =	smov.u32 s11;
	p0 =	por !p0, !p0;
	[sflag:s14] =	ssyncset.done @!p1 $0x0  }
0x20: {  	s12 =	smov.u32 s16;
	s11 =	smov.u32 s15;
	[sflag:s14] =	ssyncadd.s32 @!p1 $0xFFFFF800  }
.LBB2_1:
0x21: {  	p1 =	sge.u32 s12, s8  }
0x22: {  	s14 =	sxor.u32 @!p1 $0xFFFFFFFF, s12  }
0x23: {  	s31 =	sadd.s32 $0xFFFFFFFF, s12;
	s15 =	sshrl.u32 @!p1 s11, $0x3;
	s14 =	sshll.u32 @!p1 s14, $0xB  }
0x24: {  	s16 =	sand.u32 @!p1 $0x7, s11;
	s15 =	sadd.s32 @!p1 s4, s15;
	s14 =	sand.u32 @!p1 $0x800, s14  }
0x25: {  	[tilespmem:s14], [sflag:$0x2] =	stream.linear.gather @!p1 [hbm4b:s15+s16], $0x800, $0x38;
	[tilespmem:$0x2000] =	vst v63  }
0x26: {  	p1 =	sge.u32 s31, s8  }
.Ltmp2:
0x27: {  	_ = 	snop;
	(pc) =	sbr.rel @p1 .LBB2_5-.Ltmp2, $1  }
0x28: {  	_ =	sdelay $0x3  }
0x29: {  	s14 =	simm.s32 $0x1  }
0x2a: {  	_ =	swait.ge [sflag:s7], $0x800;
	s14 =	simm.s32 @!p0 $0x0  }
0x2b: {  	[sflag:s7] =	ssyncset.done $0x0;
	s14 =	sshll.u32 s14, $0xB  }
0x2c: {  	[sflag:s7] =	ssyncadd.s32 $0xFFFFF800;
	(ifvalue) =	ssetifvalue $0x7FFFFFFF;
	v0 =	vld.msk [tilespmem:s14+$0x0 ss:$0x1], $0xffff;
	_ =	sdelay $0x4  }
0x2d: {  	s15 =	sadd.s32 $0x10, s14;
	vm1 =	vgt.s32 v0, $0x0  }
0x2e: {  	v2 =	vld.msk [tilespmem:s15+$0x0 ss:$0x1], $0xffff;
	v1 =	vnsel vm1, $0x0, v0  }
0x2f: {  	v1 =	vmin.u32 v1, $0x27AC59;
	_ =	sdelay $0x1  }
0x30: {  	s16 =	sshll.u32 s12, $0xB;
	s18 =	simm.s32 $0x20  }
0x31: {  	s16 =	sand.u32 $0x800, s16;
	s17 =	sadd.s32 $0x10, s15;
	s15 =	sor.u32 $0x1000, s14  }
0x32: {  	s14 =	sor.u32 $0x1000, s16;
	s16 =	sadd.s32 $0x10, s15;
	v0 =	vld.msk [tilespmem:s17+$0x0 ss:$0x1], $0xffff;
	vm1 =	vgt.s32 v2, $0x0;
	(ifvalue) =	ssetifvalue $0x7FFFFFFF  }
.LBB2_3:
0x33: {  	[tilespmem:s15], [sflag:$0x1] =	stream.indirect_vreg.gather [hbm4b:s3+s10], $0x1, v1, vm0, $0x4038;
	[tilespmem:$0x2000] =	vst v63  }
0x34: {  	s18 =	sadd.s32 $0x10, s18  }
0x35: {  	v2 =	vnsel vm1, $0x0, v2;
	p1 =	slt.u32 s18, $0x7F0  }
.Ltmp3:
0x36: {  	s15 =	smov.u32 s16;
	v1 =	vmin.u32 v2, $0x27AC59;
	(pc) =	sbr.rel @p1 .LBB2_3-.Ltmp3, $3  }
0x37: {  	_ =	sdelay $0x1  }
0x38: {  	s17 =	sadd.s32 $0x10, s17  }
0x39: {  	vm1 =	vgt.s32 v0, $0x0;
	s16 =	sadd.s32 $0x10, s16;
	v2 =	vmov v0;
	(ifvalue) =	ssetifvalue $0x7FFFFFFF;
	v0 =	vld.msk [tilespmem:s17+$0x0 ss:$0x1], $0xffff  }
.Ltmp4:
0x3a: {  	_ = 	snop;
	(pc) =	sbr.rel .LBB2_4-.Ltmp4, $1  }
0x3b: {  	_ =	sdelay $0x3  }
.LBB2_6:
0x3c: {  	_ =	sfence.sel $0x180000  }
0x3d: {  	s2 =	simm.s32 $0x2;
	[bflag:$0x0] =	sbarrier.arrive $0xFFFF  }
0x3e: {  	s30 =	simm.s32 $0x3;
	[sflag:s2] =	ssyncpa.u1 $0x1  }
0x3f: {  	s31 =	simm.s32 $0x1;
	[sflag:s30] =	ssyncpa.u1 $0x1  }
0x40: {  	[sflag:s31] =	ssyncpa.u1 $0x1  }
0x41: {  	p0 =	sne.s32 s1, $0x0;
	_ =	strace $0x90000047  }
0x42: {  	s0 =	sadd.s32 @!p0 $0x100000, s0;
	[bflag:$0x2] =	sbarrier.arrive $0xFFFF  }
0x43: {  	[sflag:s0] =	ssyncadd.tile.s32 @!p0 $0x1;
	_ =	shalt  }
.Lfunc_end2:
_tile_overlayer_lowered:
.L_overlay_start_2:
0x44: {  	(tag) =	ssettag $0x2  }
0x45: {  	s0 =	rddreg [dreg:$0x0];
	s2 =	stileid.u32  }
0x46: {  	s1 =	rddreg [dreg:$0x1];
	p0 =	sne.s32 s2, $0x0  }
0x47: {  	s3 =	rddreg [dreg:$0x2];
	[bflag:$0x3] =	sbarrier.arrive $0xFFFF;
	s2 =	simm.s32 @!p0 $0x1C01  }
0x48: {  	[timem:s3], [sflag:s2] =	dma.local @!p0 [hbm:s0], s1  }
0x49: {  	s0 =	simm.s32 @!p0 $0x1  }
0x4a: {  	_ =	swait.ge @!p0 [sflag:s0], s1  }
0x4b: {  	s1 =	ssub.s32 @!p0 $0x0, s1;
	[sflag:s0] =	ssyncset.done @!p0 $0x0  }
0x4c: {  	[sflag:s0] =	ssyncadd.s32 @!p0 s1  }
0x4d: {  	[bflag:$0x3] =	sbarrier.arrive $0xFFFF  }
0x4e: {  	_ =	shalt  }

// kernel: kernel.4.cloned.1.call-start
scs
__scs_entry_jumppad:
0x0: {  	(pc) =	sbr.rel $0x88, $3  }
0x1: {  	(tag) =	ssettag $0x0;
	lr =	simm.s32 $0x1  }
0x2: {  	[smem:$0x3F9A] =	sst lr;
	_ =	strace $0xD0000000  }
0x3: {  	_ = 	snop  }
0x4: {  	_ = 	snop  }
0x5: {  	_ = 	snop  }
0x6: {  	_ = 	snop  }
0x7: {  	_ = 	snop  }
__scs_overlays_trampoline_lowered:
0x8: {  	[smem:$0x3FA9] =	sst s0  }
0x9: {  	[smem:$0x3FAA] =	sst s1  }
0xa: {  	[smem:$0x3FAB] =	sst s2  }
0xb: {  	[smem:$0x3FAC] =	sst s3  }
0xc: {  	[smem:$0x3FAD] =	sst s4  }
0xd: {  	[smem:$0x3FAE] =	sst s5  }
0xe: {  	[smem:$0x3FAF] =	sst s6  }
0xf: {  	[smem:$0x3FB0] =	sst s7  }
0x10: {  	[smem:$0x3FB1] =	sst s8  }
0x11: {  	[smem:$0x3FB2] =	sst s9;
	s0 =	simm.s32 @!p0 $0x0  }
0x12: {  	s1 =	sld [smem:$0x3F98];
	s0 =	simm.s32 @p0 $0x1  }
0x13: {  	[smem:$0x3FB3] =	sst s0;
	s0 =	simm.s32 @!p1 $0x0  }
0x14: {  	s2 =	sld [smem:$0x3F97];
	s0 =	simm.s32 @p1 $0x1  }
0x15: {  	[smem:$0x3FB4] =	sst s0;
	s0 =	simm.s32 @!p2 $0x0  }
0x16: {  	s3 =	sld [smem:$0x3FDB];
	s0 =	simm.s32 @p2 $0x1  }
0x17: {  	s4 =	simm.s32 $0x1BF5;
	[smem:$0x3FB6] =	sst s0  }
0x18: {  	s0 =	sld [smem:$0x3F99];
	_ =	swait.ge [sflag:s4], $0x0  }
0x19: {  	s7 =	sld [smem:$0x3F9A]  }
0x1a: {  	s8 =	sadd.s32 $0xFFFFE003, lr  }
0x1b: {  	s9 =	sadd.s32 $0xFFFFFEF7, lr;
	s5 =	simm.s32 $0xFFFFFFFF;
	p2 =	slt.u32 s8, $0xFFFFF086  }
0x1c: {  	p1 =	slt.u32 s9, $0xF7A;
	s5 =	simm.s32 @!p2 $0x0  }
0x1d: {  	s5 =	simm.s32 @p1 $0x1;
	p0 =	seq.s32 s7, s2  }
0x1e: {  	s7 =	smul.u32 @!p0 $0xF7A, s2;
	p2 =	seq.s32 @!p0 s5, $0x0  }
0x1f: {  	s9 =	smul.u32 $0xF7A, s1;
	s8 =	simm.s32 @!p0 $0x1BF5;
	p2 =	por !p2, p0  }
0x20: {  	[sflag:s8] =	ssyncset.s32 @!p0 $0xFFFFF086;
	s6 =	sadd.s32 @!p0 s3, s7;
	s7 =	simm.s32 @!p0 $0x108  }
0x21: {  	s3 =	sadd.s32 s3, s9;
	s6 =	sadd.s32 @!p0 $0x88, s6;
	s7 =	simm.s32 @p2 $0x1082  }
0x22: {  	[simem:s7], [sflag:s8] =	dma.local @!p0 [hbm:s6], $0xF7A  }
0x23: {  	s9 =	sor.u32 $0xD0000000, s2;
	s6 =	simm.s32 $0x108;
	_ =	swait.ge @!p0 [sflag:s8], $0x0  }
0x24: {  	s3 =	sadd.s32 $0x88, s3;
	s6 =	simm.s32 @!p1 $0x1082;
	[sflag:s4] =	ssyncset.s32 $0xFFFFF086  }
0x25: {  	[simem:s6], [sflag:s4] =	dma.local [hbm:s3], $0xF7A  }
0x26: {  	[smem:$0x3F9A] =	sst s1;
	(tag) =	ssettag s2;
	_ =	strace s9  }
0x27: {  	s1 =	sld [smem:$0x3FAA]  }
0x28: {  	s2 =	sld [smem:$0x3FAB]  }
0x29: {  	s4 =	sld [smem:$0x3FAD]  }
0x2a: {  	p0 =	seq.s32 s5, $0x0;
	s5 =	sld [smem:$0x3FAE]  }
0x2b: {  	s6 =	sld [smem:$0x3FAF]  }
0x2c: {  	s7 =	sld [smem:$0x3FB0]  }
0x2d: {  	s3 =	simm.s32 $0x108;
	s8 =	sld [smem:$0x3FB1]  }
0x2e: {  	s3 =	simm.s32 @!p0 $0x1082;
	s9 =	sld [smem:$0x3FB2]  }
0x2f: {  	lr =	sadd.s32 s0, s3;
	s0 =	sld [smem:$0x3FA9]  }
0x30: {  	s3 =	sld [smem:$0x3FAC]  }
0x31: {  	[smem:$0x3FB5] =	sst s10  }
0x32: {  	s10 =	sld [smem:$0x3FB3];
	_ =	sdelay $0x3  }
0x33: {  	p0 =	seq.s32 s10, $0x1;
	s10 =	sld [smem:$0x3FB5];
	_ =	sdelay $0x3  }
0x34: {  	[smem:$0x3FB5] =	sst s10  }
0x35: {  	s10 =	sld [smem:$0x3FB4];
	_ =	sdelay $0x3  }
0x36: {  	p1 =	seq.s32 s10, $0x1;
	s10 =	sld [smem:$0x3FB5];
	_ =	sdelay $0x3  }
0x37: {  	[smem:$0x3FB5] =	sst s10  }
0x38: {  	s10 =	sld [smem:$0x3FB6]  }
0x39: {  	_ = 	snop;
	(pc) =	sbr.ind lr, $3  }
0x3a: {  	_ = 	snop  }
0x3b: {  	_ = 	snop  }
0x3c: {  	p2 =	seq.s32 s10, $0x1;
	s10 =	sld [smem:$0x3FB5]  }
0x3d: {  	_ =	shalt  }
0x3e: {  	_ =	shalt  }
0x3f: {  	_ =	shalt  }
0x40: {  	_ =	shalt  }
0x41: {  	_ =	shalt  }
0x42: {  	_ =	shalt  }
0x43: {  	_ =	shalt  }
0x44: {  	_ =	shalt  }
0x45: {  	_ =	shalt  }
0x46: {  	_ =	shalt  }
0x47: {  	_ =	shalt  }
0x48: {  	_ =	shalt  }
0x49: {  	_ =	shalt  }
0x4a: {  	_ =	shalt  }
0x4b: {  	_ =	shalt  }
0x4c: {  	_ =	shalt  }
0x4d: {  	_ =	shalt  }
0x4e: {  	_ =	shalt  }
0x4f: {  	_ =	shalt  }
0x50: {  	_ =	shalt  }
0x51: {  	_ =	shalt  }
0x52: {  	_ =	shalt  }
0x53: {  	_ =	shalt  }
0x54: {  	_ =	shalt  }
0x55: {  	_ =	shalt  }
0x56: {  	_ =	shalt  }
0x57: {  	_ =	shalt  }
0x58: {  	_ =	shalt  }
0x59: {  	_ =	shalt  }
0x5a: {  	_ =	shalt  }
0x5b: {  	_ =	shalt  }
0x5c: {  	_ =	shalt  }
0x5d: {  	_ =	shalt  }
0x5e: {  	_ =	shalt  }
0x5f: {  	_ =	shalt  }
0x60: {  	_ =	shalt  }
0x61: {  	_ =	shalt  }
0x62: {  	_ =	shalt  }
0x63: {  	_ =	shalt  }
0x64: {  	_ =	shalt  }
0x65: {  	_ =	shalt  }
0x66: {  	_ =	shalt  }
0x67: {  	_ =	shalt  }
0x68: {  	_ =	shalt  }
0x69: {  	_ =	shalt  }
0x6a: {  	_ =	shalt  }
0x6b: {  	_ =	shalt  }
0x6c: {  	_ =	shalt  }
0x6d: {  	_ =	shalt  }
0x6e: {  	_ =	shalt  }
0x6f: {  	_ =	shalt  }
0x70: {  	_ =	shalt  }
0x71: {  	_ =	shalt  }
0x72: {  	_ =	shalt  }
0x73: {  	_ =	shalt  }
0x74: {  	_ =	shalt  }
0x75: {  	_ =	shalt  }
0x76: {  	_ =	shalt  }
0x77: {  	_ =	shalt  }
0x78: {  	_ =	shalt  }
0x79: {  	_ =	shalt  }
0x7a: {  	_ =	shalt  }
0x7b: {  	_ =	shalt  }
0x7c: {  	_ =	shalt  }
0x7d: {  	_ =	shalt  }
0x7e: {  	_ =	shalt  }
0x7f: {  	_ =	shalt  }
0x80: {  	_ =	shalt  }
0x81: {  	_ =	shalt  }
0x82: {  	_ =	shalt  }
0x83: {  	_ =	shalt  }
0x84: {  	_ =	shalt  }
0x85: {  	_ =	shalt  }
0x86: {  	_ =	shalt  }
0x87: {  	_ =	shalt  }
.Lfunc_end0:
.L_simem_size_0:
called_computation.1_lowered:
.L_overlay_start_0:
0x88: {  	s2 =	sld [smem:$0x3FD9]  }
0x89: {  	s3 =	sld [smem:$0x3FFE];
	_ =	sdelay $0x1  }
0x8a: {  	s1 =	srdreg.scid  }
0x8b: {  	s0 =	sand.u32 $0x1, s1  }
0x8c: {  	s17 =	sshll.u32 s0, $0xA;
	s2 =	sadd.s32 s3, s2  }
0x8d: {  	s2 =	sadd.s32 s2, s17  }
0x8e: {  	[smem:$0x3FC1] =	sst s2  }
0x8f: {  	_ = 	snop  }
0x90: {  	(tm) =	ssettm $0x1  }
0x91: {  	s18 =	sld [smem:$0x3FFB];
	_ =	sdelay $0x3  }
0x92: {  	_ =	strace s18  }
0x93: {  	s2 =	sld [smem:$0x3FFC];
	_ =	sdelay $0x3  }
0x94: {  	_ =	strace s2  }
0x95: {  	s2 =	sld [smem:$0x3FFD];
	_ =	sdelay $0x3  }
0x96: {  	_ =	strace s2  }
0x97: {  	_ =	strace $0x8FFFFFFF  }
0x98: {  	s19 =	sld [smem:$0x3FDB];
	_ =	sdelay $0x1  }
0x99: {  	s20 =	simm.s32 $_scs_section_size  }
0x9a: {  	s4 =	simm.s32 $_size__tile_overlayer_lowered;
	s5 =	simm.s32 $_tile_overlayer_lowered  }
0x9b: {  	s6 =	simm.s32 $0x1BFF;
	s21 =	sshll.u32 s5, $0x1;
	s3 =	sadd.s32 s20, s19  }
0x9c: {  	s22 =	simm.s32 $0x0;
	s4 =	sshll.u32 s4, $0x1;
	s5 =	sadd.s32 s21, s3  }
0x9d: {  	[timem:s22], [sflag:s6] =	dma.local [hbm:s5], s4  }
0x9e: {  	_ =	swait.ge [sflag:s6], s4  }
0x9f: {  	s4 =	ssub.s32 $0x0, s4;
	[sflag:s6] =	ssyncset.done $0x0  }
0xa0: {  	[sflag:s6] =	ssyncadd.s32 s4;
	_ =	sdelay $0x1  }
0xa1: {  	s23 =	simm.s32 $0x1B8B  }
0xa2: {  	_ =	swait.ge [sflag:s23], $0x1  }
0xa3: {  	[sflag:s23] =	ssyncset.done $0x0  }
0xa4: {  	[sflag:s23] =	ssyncadd.s32 $0xFFFFFFFF  }
0xa5: {  	s4 =	sld [smem:$0x0]  }
0xa6: {  	s5 =	sand.u32 $0xFFFFFFFE, s1  }
0xa7: {  	p0 =	sne.s32 s1, s5  }
0xa8: {  	s5 =	sshll.u32 @p0 s5, $0xE  }
0xa9: {  	s5 =	sadd.s32 @p0 $0x11B8D, s5;
	s6 =	sshll.u32 @p0 s4, $0x11  }
0xaa: {  	s5 =	sor.u32 @p0 s6, s5  }
0xab: {  	[sflag:s5] =	ssyncadd.remote.s32 @p0 $0x1;
	_ =	sdelay $0x1  }
0xac: {  	s5 =	simm.s32 @p0 $0x1B8D  }
0xad: {  	_ =	swait.eq @p0 [sflag:s5], $0x1  }
0xae: {  	[sflag:s5] =	ssyncadd.s32 @p0 $0xFFFFFFFF  }
0xaf: {  	s6 =	sshll.u32 @!p0 s1, $0xE  }
0xb0: {  	s6 =	sor.u32 @!p0 $0x4000, s6;
	s5 =	simm.s32 @!p0 $0x1B8D  }
0xb1: {  	s4 =	sshll.u32 @!p0 s4, $0x11;
	s6 =	sadd.s32 @!p0 $0x11B8D, s6;
	_ =	swait.eq @!p0 [sflag:s5], $0x1  }
0xb2: {  	s4 =	sor.u32 @!p0 s4, s6;
	[sflag:s5] =	ssyncadd.s32 @!p0 $0xFFFFFFFF  }
0xb3: {  	s25 =	simm.s32 $0x1B8E;
	s24 =	sld [smem:$0x3FFE];
	[sflag:s4] =	ssyncadd.remote.s32 @!p0 $0x1  }
0xb4: {  	s26 =	simm.s32 $execute0_lowered;
	[smem:$0x3FD2] =	sst s25  }
0xb5: {  	s5 =	sshll.u32 s26, $0x1;
	_ =	strace $0x80000049;
	[dreg:$0x1] =	wrdreg $0xFFFFFFFF  }
0xb6: {  	s28 =	simm.s32 $_size_execute0_lowered;
	s3 =	sadd.s32 s3, s5;
	[dreg:$0x0] =	wrdreg $0x0  }
0xb7: {  	s5 =	sshll.u32 s28, $0x1;
	[dreg:$0x2] =	wrdreg s3  }
0xb8: {  	[dreg:$0x3] =	wrdreg s5  }
0xb9: {  	[dreg:$0x4] =	wrdreg $0xC0  }
0xba: {  	_ =	task [dreg:s22], $0x5FFFF  }
0xbb: {  	[dreg:$0x1] =	wrdreg $0xFFFFFFFF  }
0xbc: {  	[dreg:$0x0] =	wrdreg $0x60  }
0xbd: {  	[dreg:$0x2] =	wrdreg s24  }
0xbe: {  	[dreg:$0x3] =	wrdreg $0xA  }
0xbf: {  	_ =	task.clear_ibuf [dreg:s22], $0x4FFFF;
	_ =	strace $0x90000049  }
0xc0: {  	s29 =	simm.s32 $0xA;
	_ =	strace $0x8000004B  }
0xc1: {  	_ =	swait.ge [sflag:s29], $0x1  }
0xc2: {  	[sflag:s29] =	ssyncadd.s32 $0xFFFFFFFF  }
0xc3: {  	_ =	strace $0x9000004B  }
0xc4: {  	_ =	sfence  }
0xc5: {  	s30 =	sld [smem:$0x0];
	_ =	sdelay $0x2  }
0xc6: {  	s31 =	sshll.u32 s1, $0xD;
	s1 =	sshrl.u32 s1, $0x2  }
0xc7: {  	s4 =	sand.u32 $0x4000, s31;
	s1 =	sadd.s32 s1, s30  }
0xc8: {  	s0 =	sor.u32 s4, s0;
	s1 =	sshll.u32 s1, $0x11  }
0xc9: {  	s0 =	sor.u32 s1, s0  }
0xca: {  	s0 =	sadd.s32 $0x8F2B, s0  }
0xcb: {  	[sflag:s0] =	ssyncadd.remote.s32 $0x1  }
0xcc: {  	_ =	sfence.sel $0xFFFF  }
0xcd: {  	[dreg:$0x0] =	wrdreg $0xFFFFFFFF;
	(pc) =	sbr.abs _section_cstart, $3  }
0xce: {  	[dreg:$0x1] =	wrdreg $0xFFFFFFFF  }
0xcf: {  	_ =	task.clear_ibuf [dreg:s22], $0x2FFFF;
	_ =	strace $0x9FFFFFFF  }
0xd0: {  	(tm) =	ssettm $0x7FFFFFFF  }
0xd1: {  	_ =	shalt  }
tec
execute0_lowered:
.L_overlay_start_1:
0x0: {  	(tag) =	ssettag $0x1  }
0x1: {  	s1 =	srdreg.scid;
	s0 =	stileid.u32  }
0x2: {  	s6 =	sand.u32 $0x1, s1;
	s30 =	sshll.u32 s0, $0x1  }
0x3: {  	s8 =	rddreg [dreg:$0x0];
	s7 =	sor.u32 s6, s30  }
0x4: {  	s2 =	simm.s32 $0x0;
	s1 =	rddreg [dreg:$0x1];
	s3 =	smul.u32 $0x1A0, s7  }
0x5: {  	[smem:$0x7FF] =	sst s2;
	s5 =	sadd.s32 $0x27C3E00, s8  }
0x6: {  	_ =	strace $0x8000004A;
	s10 =	ssub.s32 $0x2, s6;
	s3 =	sadd.s32 s3, s8  }
0x7: {  	s6 =	simm.s32 $0xD00;
	s4 =	sadd.s32 $0x11000, s3;
	s3 =	simm.s32 $0x2  }
0x8: {  	[tilespmem:s2], [sflag:$0x2] =	stream.linear.gather [hbm4b:s4+s2], $0xD00, $0x38;
	[tilespmem:$0xDD00] =	vst v63  }
0x9: {  	s9 =	smul.u32 $0x1A00, s7;
	s11 =	sshrl.u32 s10, $0x1;
	_ =	swait.ge [sflag:s3], $0xD00  }
0xa: {  	s7 =	simm.s32 $0x1;
	s31 =	ssub.s32 s10, s11;
	[sflag:s3] =	ssyncset.done $0x0  }
0xb: {  	s8 =	sadd.s32 s9, s8;
	s9 =	smax.u32 s31, $0x1;
	[sflag:s3] =	ssyncadd.s32 $0xFFFFF300  }
0xc: {  	[tilespmem:s6], [sflag:$0x1] =	stream.indirect.gather [hbm4b:s5+s6], $0x10, s2, s6, $0xb8;
	[tilespmem:$0xDD00] =	vst v63  }
0xd: {  	p0 =	sne.s32 s9, $0x1;
	_ =	swait.ge [sflag:s7], $0xD000  }
.Ltmp0:
0xe: {  	[sflag:s7] =	ssyncset.done $0x0;
	(pc) =	sbr.rel @!p0 .LBB2_2-.Ltmp0, $4  }
0xf: {  	s8 =	sadd.s32 $0x6A200, s8;
	[sflag:s7] =	ssyncadd.s32 $0xFFFF3000  }
0x10: {  	[hbm4b:s8+s2] =	stream.linear.scatter [tilespmem:s6], [sflag:$0x2], $0xD000, $0x38;
	[tilespmem:$0xDD00] =	vst v63  }
0x11: {  	_ =	swait.ge [sflag:s3], $0xD000  }
0x12: {  	s9 =	sadd.s32 $0xFFFFFFFF, s9;
	[sflag:s3] =	ssyncset.done $0x0  }
.LBB2_1:
0x13: {  	p0 =	sne.s32 s9, $0x1;
	s9 =	sadd.s32 $0xFFFFFFFF, s9;
	[sflag:s3] =	ssyncadd.s32 $0xFFFF3000  }
0x14: {  	[tilespmem:s2], [sflag:$0x2] =	stream.linear.gather [hbm4b:s4+s2], $0xD00, $0x38;
	[tilespmem:$0xDD00] =	vst v63  }
0x15: {  	_ =	swait.ge [sflag:s3], $0xD00  }
0x16: {  	[sflag:s3] =	ssyncset.done $0x0  }
0x17: {  	[sflag:s3] =	ssyncadd.s32 $0xFFFFF300  }
0x18: {  	[tilespmem:s6], [sflag:$0x1] =	stream.indirect.gather [hbm4b:s5+s6], $0x10, s2, s6, $0xb8;
	[tilespmem:$0xDD00] =	vst v63  }
0x19: {  	_ =	swait.ge [sflag:s7], $0xD000  }
.Ltmp1:
0x1a: {  	[sflag:s7] =	ssyncset.done $0x0;
	(pc) =	sbr.rel @p0 .LBB2_1-.Ltmp1, $4  }
0x1b: {  	[sflag:s7] =	ssyncadd.s32 $0xFFFF3000  }
0x1c: {  	[hbm4b:s8+s2] =	stream.linear.scatter [tilespmem:s6], [sflag:$0x2], $0xD000, $0x38;
	[tilespmem:$0xDD00] =	vst v63  }
0x1d: {  	_ =	swait.ge [sflag:s3], $0xD000  }
0x1e: {  	[sflag:s3] =	ssyncset.done $0x0  }
.LBB2_2:
0x1f: {  	[sflag:s3] =	ssyncadd.s32 $0xFFFF3000  }
0x20: {  	_ =	sfence.sel $0x180000  }
0x21: {  	[bflag:$0x0] =	sbarrier.arrive $0xFFFF  }
0x22: {  	p0 =	sne.s32 s0, $0x0;
	_ =	strace $0x9000004A  }
0x23: {  	s0 =	sadd.s32 @!p0 $0x100000, s1;
	[bflag:$0x2] =	sbarrier.arrive $0xFFFF  }
0x24: {  	[sflag:s0] =	ssyncadd.tile.s32 @!p0 $0x1;
	_ =	shalt  }
.Lfunc_end2:
_tile_overlayer_lowered:
.L_overlay_start_2:
0x25: {  	(tag) =	ssettag $0x2  }
0x26: {  	s0 =	rddreg [dreg:$0x0];
	s2 =	stileid.u32  }
0x27: {  	s1 =	rddreg [dreg:$0x1];
	p0 =	sne.s32 s2, $0x0  }
0x28: {  	s3 =	rddreg [dreg:$0x2];
	[bflag:$0x3] =	sbarrier.arrive $0xFFFF;
	s2 =	simm.s32 @!p0 $0x1C02  }
0x29: {  	[timem:s3], [sflag:s2] =	dma.local @!p0 [hbm:s0], s1  }
0x2a: {  	s0 =	simm.s32 @!p0 $0x2  }
0x2b: {  	_ =	swait.ge @!p0 [sflag:s0], s1  }
0x2c: {  	s1 =	ssub.s32 @!p0 $0x0, s1;
	[sflag:s0] =	ssyncset.done @!p0 $0x0  }
0x2d: {  	[sflag:s0] =	ssyncadd.s32 @!p0 s1  }
0x2e: {  	[bflag:$0x3] =	sbarrier.arrive $0xFFFF  }
0x2f: {  	_ =	shalt  }

</sc_bundles>
